<compile_context>
chip_gen: v7x
topology: tpu7x:2x2x1
jax: 0.10.2.dev20260603
libtpu: 0.0.44.dev20260713+nightly
codegen_flags: <defaults>
</compile_context>

<pallas_src>
import functools

import jax
import jax.numpy as jnp
from jax import lax
from jax.experimental import pallas as pl
from jax.experimental.pallas import tpu as pltpu
from jax.experimental.pallas import tpu_sc as plsc

_DIM = 64
_PAD = 128
_B = 4096 * 200
_NC = 2
_NS = 16
_NW = _NC * _NS
_BPW = _B // _NW
_NBUF = 4
_CHUNK = 200
_NCHUNK = _BPW // _CHUNK

_mesh = plsc.VectorSubcoreMesh(core_axis_name="c", subcore_axis_name="s")


@functools.partial(
    pl.kernel,
    mesh=_mesh,
    out_type=jax.ShapeDtypeStruct((_B, _PAD), jnp.float32),
    scratch_types=(
        [pltpu.VMEM((_CHUNK,), jnp.int32) for _ in range(_NBUF)]
        + [pltpu.VMEM((_NBUF, _CHUNK, _PAD), jnp.float32)]
        + [pltpu.SemaphoreType.DMA for _ in range(3 * _NBUF)]
    ),
)
def _emb_lookup(idx_hbm, table_hbm, out_hbm, *bufs):
    idx_bufs = bufs[:_NBUF]
    rows_v = bufs[_NBUF]
    isem = bufs[_NBUF + 1:_NBUF + 1 + _NBUF]
    gsem = bufs[_NBUF + 1 + _NBUF:_NBUF + 1 + 2 * _NBUF]
    osem = bufs[_NBUF + 1 + 2 * _NBUF:]

    wid = lax.axis_index("s") * _NC + lax.axis_index("c")
    base = wid * _BPW

    def idx_src(c):
        return idx_hbm.at[pl.ds(base + c * _CHUNK, _CHUNK)]

    def out_slice(c):
        return out_hbm.at[pl.ds(base + c * _CHUNK, _CHUNK)]

    def start_idx(c, b):
        pltpu.async_copy(idx_src(c), idx_bufs[b], isem[b])

    def wait_idx(c, b):
        pltpu.make_async_copy(idx_src(c), idx_bufs[b], isem[b]).wait()

    def start_gather(b):
        pltpu.async_copy(table_hbm.at[idx_bufs[b]], rows_v.at[b], gsem[b])

    def wait_gather(b):
        pltpu.make_async_copy(table_hbm.at[idx_bufs[b]], rows_v.at[b], gsem[b]).wait()

    def start_write(c, b):
        pltpu.async_copy(rows_v.at[b], out_slice(c), osem[b])

    def wait_write(c, b):
        pltpu.make_async_copy(rows_v.at[b], out_slice(c), osem[b]).wait()

    for b in range(_NBUF):
        start_idx(b, b)
    for b in range(_NBUF):
        wait_idx(b, b)
        start_gather(b)

    def body(i, carry):
        for b in range(_NBUF):
            cc = _NBUF * i + b
            wait_gather(b)
            start_write(cc, b)
            wait_write(cc, b)
            start_idx(cc + _NBUF, b)
            wait_idx(cc + _NBUF, b)
            start_gather(b)
        return carry

    lax.fori_loop(0, _NCHUNK // _NBUF - 1, body, 0)

    for b in range(_NBUF):
        wait_gather(b)
        start_write(_NCHUNK - _NBUF + b, b)
    for b in range(_NBUF):
        wait_write(_NCHUNK - _NBUF + b, b)


def kernel(x, table):
    tp = jnp.pad(table, ((0, 0), (0, _PAD - _DIM)))
    idx = x.reshape(-1)
    out = _emb_lookup(idx, tp)
    return out[:, :_DIM].reshape(x.shape + (table.shape[1],))

# --- scband reference (transcript-rebuilt; emitter-appended) ---
"""Pipeline reference for scband-token-embedding-12103217840692 (READ-ONLY COPY).

The authoritative reference and input builder live on the scoring server;
editing this copy changes nothing except your own understanding.
"""

import jax, jax.numpy as jnp
import numpy as np

VOCAB = 1000000
DIM = 64

def setup_inputs(seed: int = 0) -> dict:
    key = jax.random.key(seed)
    k1, k2 = jax.random.split(key)
    x = jax.random.randint(k1, (4096, 200), 0, VOCAB, dtype=jnp.int64 if jax.config.jax_enable_x64 else jnp.int32)
    table = jax.random.normal(k2, (VOCAB, DIM), dtype=jnp.float32) * 0.02
    return {"x": x, "table": table}

def reference(x, table):
    # TokenEmbedding.call: input is integer token ids (rank 2), so the
    # one-hot argmax branch is not taken; plain embedding lookup.
    return jnp.take(table, x, axis=0)

if __name__ == "__main__":
    import jax
    _d = setup_inputs()
    print(jax.jit(kernel)(*tuple(_d.values())))

</pallas_src>

<mosaic_0001>
#map = affine_map<(d0, d1) -> (0)>
#map1 = affine_map<(d0, d1) -> (0, 0)>
module attributes {stable_mosaic.version = 14 : i64} {
  func.func @_emb_lookup(%arg0: i32, %arg1: i32, %arg2: memref<819200xi32, #tpu.memory_space<hbm>>, %arg3: memref<1000000x128xf32, #tpu.memory_space<hbm>>, %arg4: memref<819200x128xf32, #tpu.memory_space<hbm>>, %arg5: memref<200xi32, #tpu.memory_space<vmem>>, %arg6: memref<200xi32, #tpu.memory_space<vmem>>, %arg7: memref<200xi32, #tpu.memory_space<vmem>>, %arg8: memref<200xi32, #tpu.memory_space<vmem>>, %arg9: memref<4x200x128xf32, #tpu.memory_space<vmem>>, %arg10: memref<!tpu.dma_semaphore, #tpu.memory_space<semaphore_mem>>, %arg11: memref<!tpu.dma_semaphore, #tpu.memory_space<semaphore_mem>>, %arg12: memref<!tpu.dma_semaphore, #tpu.memory_space<semaphore_mem>>, %arg13: memref<!tpu.dma_semaphore, #tpu.memory_space<semaphore_mem>>, %arg14: memref<!tpu.dma_semaphore, #tpu.memory_space<semaphore_mem>>, %arg15: memref<!tpu.dma_semaphore, #tpu.memory_space<semaphore_mem>>, %arg16: memref<!tpu.dma_semaphore, #tpu.memory_space<semaphore_mem>>, %arg17: memref<!tpu.dma_semaphore, #tpu.memory_space<semaphore_mem>>, %arg18: memref<!tpu.dma_semaphore, #tpu.memory_space<semaphore_mem>>, %arg19: memref<!tpu.dma_semaphore, #tpu.memory_space<semaphore_mem>>, %arg20: memref<!tpu.dma_semaphore, #tpu.memory_space<semaphore_mem>>, %arg21: memref<!tpu.dma_semaphore, #tpu.memory_space<semaphore_mem>>) attributes {dimension_semantics = [#tpu.dimension_semantics<core_parallel>, #tpu.dimension_semantics<subcore_parallel>], iteration_bounds = array<i64: 2, 16>, scalar_prefetch = 0 : i64, scratch_operands = 17 : i64, tpu.core_type = #tpu.core_type<sc_vector_subcore>, window_params = [{transform_indices = #map}, {transform_indices = #map1}, {transform_indices = #map1}]} {
    %mul3A = arith.constant 2 : i32
    %mul3A_0 = arith.muli %arg1, %mul3A : i32
    %add3A = arith.addi %mul3A_0, %arg0 : i32
    %mul3A_1 = arith.constant 25600 : i32
    %mul3A_2 = arith.muli %add3A, %mul3A_1 : i32
    %add3A_3 = arith.constant 0 : i32
    %add3A_4 = arith.addi %mul3A_2, %add3A_3 : i32
    %dma_start3A = tpu.memref_slice %arg2[%add3A_4] : memref<819200xi32, #tpu.memory_space<hbm>> -> memref<200xi32, #tpu.memory_space<hbm>>
    %dma_start3A_5 = tpu.memref_slice %arg2[%add3A_4] : memref<819200xi32, #tpu.memory_space<hbm>> -> memref<200xi32, #tpu.memory_space<hbm>>
    tpu.enqueue_dma source(%dma_start3A_5 : memref<200xi32, #tpu.memory_space<hbm>>) target(%arg5 : memref<200xi32, #tpu.memory_space<vmem>>) target_semaphore(%arg10 : memref<!tpu.dma_semaphore, #tpu.memory_space<semaphore_mem>>)
    %add3A_6 = arith.constant 200 : i32
    %add3A_7 = arith.addi %mul3A_2, %add3A_6 : i32
    %dma_start3A_8 = tpu.memref_slice %arg2[%add3A_7] : memref<819200xi32, #tpu.memory_space<hbm>> -> memref<200xi32, #tpu.memory_space<hbm>>
    %dma_start3A_9 = tpu.memref_slice %arg2[%add3A_7] : memref<819200xi32, #tpu.memory_space<hbm>> -> memref<200xi32, #tpu.memory_space<hbm>>
    tpu.enqueue_dma source(%dma_start3A_9 : memref<200xi32, #tpu.memory_space<hbm>>) target(%arg6 : memref<200xi32, #tpu.memory_space<vmem>>) target_semaphore(%arg11 : memref<!tpu.dma_semaphore, #tpu.memory_space<semaphore_mem>>)
    %add3A_10 = arith.constant 400 : i32
    %add3A_11 = arith.addi %mul3A_2, %add3A_10 : i32
    %dma_start3A_12 = tpu.memref_slice %arg2[%add3A_11] : memref<819200xi32, #tpu.memory_space<hbm>> -> memref<200xi32, #tpu.memory_space<hbm>>
    %dma_start3A_13 = tpu.memref_slice %arg2[%add3A_11] : memref<819200xi32, #tpu.memory_space<hbm>> -> memref<200xi32, #tpu.memory_space<hbm>>
    tpu.enqueue_dma source(%dma_start3A_13 : memref<200xi32, #tpu.memory_space<hbm>>) target(%arg7 : memref<200xi32, #tpu.memory_space<vmem>>) target_semaphore(%arg12 : memref<!tpu.dma_semaphore, #tpu.memory_space<semaphore_mem>>)
    %add3A_14 = arith.constant 600 : i32
    %add3A_15 = arith.addi %mul3A_2, %add3A_14 : i32
    %dma_start3A_16 = tpu.memref_slice %arg2[%add3A_15] : memref<819200xi32, #tpu.memory_space<hbm>> -> memref<200xi32, #tpu.memory_space<hbm>>
    %dma_start3A_17 = tpu.memref_slice %arg2[%add3A_15] : memref<819200xi32, #tpu.memory_space<hbm>> -> memref<200xi32, #tpu.memory_space<hbm>>
    tpu.enqueue_dma source(%dma_start3A_17 : memref<200xi32, #tpu.memory_space<hbm>>) target(%arg8 : memref<200xi32, #tpu.memory_space<vmem>>) target_semaphore(%arg13 : memref<!tpu.dma_semaphore, #tpu.memory_space<semaphore_mem>>)
    %add3A_18 = arith.constant 0 : i32
    %add3A_19 = arith.addi %mul3A_2, %add3A_18 : i32
    %dma_wait3A = tpu.memref_slice %arg2[%add3A_19] : memref<819200xi32, #tpu.memory_space<hbm>> -> memref<200xi32, #tpu.memory_space<hbm>>
    %dma_wait3A_20 = tpu.memref_slice %arg2[%add3A_19] : memref<819200xi32, #tpu.memory_space<hbm>> -> memref<200xi32, #tpu.memory_space<hbm>>
    tpu.wait_dma2 semaphore(%arg10 : memref<!tpu.dma_semaphore, #tpu.memory_space<semaphore_mem>>) src(%dma_wait3A_20 : memref<200xi32, #tpu.memory_space<hbm>>) dst(%arg5 : memref<200xi32, #tpu.memory_space<vmem>>)
    %dma_start3A_21 = arith.constant 0 : i32
    %dma_start3A_22 = arith.constant 0 : i32
    %dma_start3A_23 = arith.constant 0 : i32
    %dma_start3A_24 = tpu.memref_slice %arg9[%dma_start3A_21, %dma_start3A_22, %dma_start3A_23] : memref<4x200x128xf32, #tpu.memory_space<vmem>> -> memref<1x200x128xf32, #tpu.memory_space<vmem>>
    %dma_start3A_25 = tpu.memref_squeeze %dma_start3A_24 : memref<1x200x128xf32, #tpu.memory_space<vmem>> -> memref<200x128xf32, #tpu.memory_space<vmem>>
    %dma_start3A_26 = arith.constant 0 : i32
    %dma_start3A_27 = arith.constant 0 : i32
    %dma_start3A_28 = tpu.memref_slice %arg3[%dma_start3A_26, %dma_start3A_27] : memref<1000000x128xf32, #tpu.memory_space<hbm>> -> memref<1000000x128xf32, #tpu.memory_space<hbm>>
    tpu.enqueue_indirect_dma source(%dma_start3A_28 : memref<1000000x128xf32, #tpu.memory_space<hbm>>) target(%dma_start3A_25 : memref<200x128xf32, #tpu.memory_space<vmem>>) offsets(%arg5 : memref<200xi32, #tpu.memory_space<vmem>>) semaphore(%arg14 : memref<!tpu.dma_semaphore, #tpu.memory_space<semaphore_mem>>)
    %add3A_29 = arith.constant 200 : i32
    %add3A_30 = arith.addi %mul3A_2, %add3A_29 : i32
    %dma_wait3A_31 = tpu.memref_slice %arg2[%add3A_30] : memref<819200xi32, #tpu.memory_space<hbm>> -> memref<200xi32, #tpu.memory_space<hbm>>
    %dma_wait3A_32 = tpu.memref_slice %arg2[%add3A_30] : memref<819200xi32, #tpu.memory_space<hbm>> -> memref<200xi32, #tpu.memory_space<hbm>>
    tpu.wait_dma2 semaphore(%arg11 : memref<!tpu.dma_semaphore, #tpu.memory_space<semaphore_mem>>) src(%dma_wait3A_32 : memref<200xi32, #tpu.memory_space<hbm>>) dst(%arg6 : memref<200xi32, #tpu.memory_space<vmem>>)
    %dma_start3A_33 = arith.constant 1 : i32
    %dma_start3A_34 = arith.constant 0 : i32
    %dma_start3A_35 = arith.constant 0 : i32
    %dma_start3A_36 = tpu.memref_slice %arg9[%dma_start3A_33, %dma_start3A_34, %dma_start3A_35] : memref<4x200x128xf32, #tpu.memory_space<vmem>> -> memref<1x200x128xf32, #tpu.memory_space<vmem>>
    %dma_start3A_37 = tpu.memref_squeeze %dma_start3A_36 : memref<1x200x128xf32, #tpu.memory_space<vmem>> -> memref<200x128xf32, #tpu.memory_space<vmem>>
    %dma_start3A_38 = arith.constant 0 : i32
    %dma_start3A_39 = arith.constant 0 : i32
    %dma_start3A_40 = tpu.memref_slice %arg3[%dma_start3A_38, %dma_start3A_39] : memref<1000000x128xf32, #tpu.memory_space<hbm>> -> memref<1000000x128xf32, #tpu.memory_space<hbm>>
    tpu.enqueue_indirect_dma source(%dma_start3A_40 : memref<1000000x128xf32, #tpu.memory_space<hbm>>) target(%dma_start3A_37 : memref<200x128xf32, #tpu.memory_space<vmem>>) offsets(%arg6 : memref<200xi32, #tpu.memory_space<vmem>>) semaphore(%arg15 : memref<!tpu.dma_semaphore, #tpu.memory_space<semaphore_mem>>)
    %add3A_41 = arith.constant 400 : i32
    %add3A_42 = arith.addi %mul3A_2, %add3A_41 : i32
    %dma_wait3A_43 = tpu.memref_slice %arg2[%add3A_42] : memref<819200xi32, #tpu.memory_space<hbm>> -> memref<200xi32, #tpu.memory_space<hbm>>
    %dma_wait3A_44 = tpu.memref_slice %arg2[%add3A_42] : memref<819200xi32, #tpu.memory_space<hbm>> -> memref<200xi32, #tpu.memory_space<hbm>>
    tpu.wait_dma2 semaphore(%arg12 : memref<!tpu.dma_semaphore, #tpu.memory_space<semaphore_mem>>) src(%dma_wait3A_44 : memref<200xi32, #tpu.memory_space<hbm>>) dst(%arg7 : memref<200xi32, #tpu.memory_space<vmem>>)
    %dma_start3A_45 = arith.constant 2 : i32
    %dma_start3A_46 = arith.constant 0 : i32
    %dma_start3A_47 = arith.constant 0 : i32
    %dma_start3A_48 = tpu.memref_slice %arg9[%dma_start3A_45, %dma_start3A_46, %dma_start3A_47] : memref<4x200x128xf32, #tpu.memory_space<vmem>> -> memref<1x200x128xf32, #tpu.memory_space<vmem>>
    %dma_start3A_49 = tpu.memref_squeeze %dma_start3A_48 : memref<1x200x128xf32, #tpu.memory_space<vmem>> -> memref<200x128xf32, #tpu.memory_space<vmem>>
    %dma_start3A_50 = arith.constant 0 : i32
    %dma_start3A_51 = arith.constant 0 : i32
    %dma_start3A_52 = tpu.memref_slice %arg3[%dma_start3A_50, %dma_start3A_51] : memref<1000000x128xf32, #tpu.memory_space<hbm>> -> memref<1000000x128xf32, #tpu.memory_space<hbm>>
    tpu.enqueue_indirect_dma source(%dma_start3A_52 : memref<1000000x128xf32, #tpu.memory_space<hbm>>) target(%dma_start3A_49 : memref<200x128xf32, #tpu.memory_space<vmem>>) offsets(%arg7 : memref<200xi32, #tpu.memory_space<vmem>>) semaphore(%arg16 : memref<!tpu.dma_semaphore, #tpu.memory_space<semaphore_mem>>)
    %add3A_53 = arith.constant 600 : i32
    %add3A_54 = arith.addi %mul3A_2, %add3A_53 : i32
    %dma_wait3A_55 = tpu.memref_slice %arg2[%add3A_54] : memref<819200xi32, #tpu.memory_space<hbm>> -> memref<200xi32, #tpu.memory_space<hbm>>
    %dma_wait3A_56 = tpu.memref_slice %arg2[%add3A_54] : memref<819200xi32, #tpu.memory_space<hbm>> -> memref<200xi32, #tpu.memory_space<hbm>>
    tpu.wait_dma2 semaphore(%arg13 : memref<!tpu.dma_semaphore, #tpu.memory_space<semaphore_mem>>) src(%dma_wait3A_56 : memref<200xi32, #tpu.memory_space<hbm>>) dst(%arg8 : memref<200xi32, #tpu.memory_space<vmem>>)
    %dma_start3A_57 = arith.constant 3 : i32
    %dma_start3A_58 = arith.constant 0 : i32
    %dma_start3A_59 = arith.constant 0 : i32
    %dma_start3A_60 = tpu.memref_slice %arg9[%dma_start3A_57, %dma_start3A_58, %dma_start3A_59] : memref<4x200x128xf32, #tpu.memory_space<vmem>> -> memref<1x200x128xf32, #tpu.memory_space<vmem>>
    %dma_start3A_61 = tpu.memref_squeeze %dma_start3A_60 : memref<1x200x128xf32, #tpu.memory_space<vmem>> -> memref<200x128xf32, #tpu.memory_space<vmem>>
    %dma_start3A_62 = arith.constant 0 : i32
    %dma_start3A_63 = arith.constant 0 : i32
    %dma_start3A_64 = tpu.memref_slice %arg3[%dma_start3A_62, %dma_start3A_63] : memref<1000000x128xf32, #tpu.memory_space<hbm>> -> memref<1000000x128xf32, #tpu.memory_space<hbm>>
    tpu.enqueue_indirect_dma source(%dma_start3A_64 : memref<1000000x128xf32, #tpu.memory_space<hbm>>) target(%dma_start3A_61 : memref<200x128xf32, #tpu.memory_space<vmem>>) offsets(%arg8 : memref<200xi32, #tpu.memory_space<vmem>>) semaphore(%arg17 : memref<!tpu.dma_semaphore, #tpu.memory_space<semaphore_mem>>)
    %scan3A = arith.constant 0 : i32
    %scan3A_65 = arith.constant 0 : i32
    %scan3A_66 = arith.constant 31 : i32
    %scan3A_67 = arith.addi %scan3A_65, %scan3A_66 : i32
    %scan3A_68 = arith.constant 1 : i32
    scf.for %scan3A_222 = %scan3A_65 to %scan3A_67 step %scan3A_68  : i32 {
      %mul3A_223 = arith.constant 4 : i32
      %mul3A_224 = arith.muli %mul3A_223, %scan3A_222 : i32
      %add3A_225 = arith.constant 0 : i32
      %add3A_226 = arith.addi %mul3A_224, %add3A_225 : i32
      %dma_wait3A_227 = arith.constant 0 : i32
      %dma_wait3A_228 = arith.constant 0 : i32
      %dma_wait3A_229 = arith.constant 0 : i32
      %dma_wait3A_230 = tpu.memref_slice %arg9[%dma_wait3A_227, %dma_wait3A_228, %dma_wait3A_229] : memref<4x200x128xf32, #tpu.memory_space<vmem>> -> memref<1x200x128xf32, #tpu.memory_space<vmem>>
      %dma_wait3A_231 = tpu.memref_squeeze %dma_wait3A_230 : memref<1x200x128xf32, #tpu.memory_space<vmem>> -> memref<200x128xf32, #tpu.memory_space<vmem>>
      %dma_wait3A_232 = arith.constant 0 : i32
      %dma_wait3A_233 = arith.constant 0 : i32
      %dma_wait3A_234 = tpu.memref_slice %arg3[%dma_wait3A_232, %dma_wait3A_233] : memref<1000000x128xf32, #tpu.memory_space<hbm>> -> memref<1000000x128xf32, #tpu.memory_space<hbm>>
      tpu.wait_indirect_dma semaphore(%arg14 : memref<!tpu.dma_semaphore, #tpu.memory_space<semaphore_mem>>) src(%dma_wait3A_234 : memref<1000000x128xf32, #tpu.memory_space<hbm>>) dst(%dma_wait3A_231 : memref<200x128xf32, #tpu.memory_space<vmem>>)
      %mul3A_235 = arith.constant 200 : i32
      %mul3A_236 = arith.muli %add3A_226, %mul3A_235 : i32
      %add3A_237 = arith.addi %mul3A_2, %mul3A_236 : i32
      %dma_start3A_238 = arith.constant 0 : i32
      %dma_start3A_239 = arith.constant 0 : i32
      %dma_start3A_240 = arith.constant 0 : i32
      %dma_start3A_241 = tpu.memref_slice %arg9[%dma_start3A_238, %dma_start3A_239, %dma_start3A_240] : memref<4x200x128xf32, #tpu.memory_space<vmem>> -> memref<1x200x128xf32, #tpu.memory_space<vmem>>
      %dma_start3A_242 = tpu.memref_squeeze %dma_start3A_241 : memref<1x200x128xf32, #tpu.memory_space<vmem>> -> memref<200x128xf32, #tpu.memory_space<vmem>>
      %dma_start3A_243 = arith.constant 0 : i32
      %dma_start3A_244 = tpu.memref_slice %arg4[%add3A_237, %dma_start3A_243] : memref<819200x128xf32, #tpu.memory_space<hbm>> -> memref<200x128xf32, #tpu.memory_space<hbm>>
      %dma_start3A_245 = arith.constant 0 : i32
      %dma_start3A_246 = tpu.memref_slice %arg4[%add3A_237, %dma_start3A_245] : memref<819200x128xf32, #tpu.memory_space<hbm>> -> memref<200x128xf32, #tpu.memory_space<hbm>>
      %dma_start3A_247 = arith.constant 0 : i32
      %dma_start3A_248 = arith.constant 0 : i32
      %dma_start3A_249 = tpu.memref_slice %arg9[%dma_start3A_238, %dma_start3A_247, %dma_start3A_248] : memref<4x200x128xf32, #tpu.memory_space<vmem>> -> memref<1x200x128xf32, #tpu.memory_space<vmem>>
      %dma_start3A_250 = tpu.memref_squeeze %dma_start3A_249 : memref<1x200x128xf32, #tpu.memory_space<vmem>> -> memref<200x128xf32, #tpu.memory_space<vmem>>
      tpu.enqueue_dma source(%dma_start3A_250 : memref<200x128xf32, #tpu.memory_space<vmem>>) target(%dma_start3A_246 : memref<200x128xf32, #tpu.memory_space<hbm>>) target_semaphore(%arg18 : memref<!tpu.dma_semaphore, #tpu.memory_space<semaphore_mem>>)
      %mul3A_251 = arith.constant 200 : i32
      %mul3A_252 = arith.muli %add3A_226, %mul3A_251 : i32
      %add3A_253 = arith.addi %mul3A_2, %mul3A_252 : i32
      %dma_wait3A_254 = arith.constant 0 : i32
      %dma_wait3A_255 = arith.constant 0 : i32
      %dma_wait3A_256 = arith.constant 0 : i32
      %dma_wait3A_257 = tpu.memref_slice %arg9[%dma_wait3A_254, %dma_wait3A_255, %dma_wait3A_256] : memref<4x200x128xf32, #tpu.memory_space<vmem>> -> memref<1x200x128xf32, #tpu.memory_space<vmem>>
      %dma_wait3A_258 = tpu.memref_squeeze %dma_wait3A_257 : memref<1x200x128xf32, #tpu.memory_space<vmem>> -> memref<200x128xf32, #tpu.memory_space<vmem>>
      %dma_wait3A_259 = arith.constant 0 : i32
      %dma_wait3A_260 = tpu.memref_slice %arg4[%add3A_253, %dma_wait3A_259] : memref<819200x128xf32, #tpu.memory_space<hbm>> -> memref<200x128xf32, #tpu.memory_space<hbm>>
      %dma_wait3A_261 = arith.constant 0 : i32
      %dma_wait3A_262 = tpu.memref_slice %arg4[%add3A_253, %dma_wait3A_261] : memref<819200x128xf32, #tpu.memory_space<hbm>> -> memref<200x128xf32, #tpu.memory_space<hbm>>
      %dma_wait3A_263 = arith.constant 0 : i32
      %dma_wait3A_264 = arith.constant 0 : i32
      %dma_wait3A_265 = tpu.memref_slice %arg9[%dma_wait3A_254, %dma_wait3A_263, %dma_wait3A_264] : memref<4x200x128xf32, #tpu.memory_space<vmem>> -> memref<1x200x128xf32, #tpu.memory_space<vmem>>
      %dma_wait3A_266 = tpu.memref_squeeze %dma_wait3A_265 : memref<1x200x128xf32, #tpu.memory_space<vmem>> -> memref<200x128xf32, #tpu.memory_space<vmem>>
      tpu.wait_dma2 semaphore(%arg18 : memref<!tpu.dma_semaphore, #tpu.memory_space<semaphore_mem>>) src(%dma_wait3A_266 : memref<200x128xf32, #tpu.memory_space<vmem>>) dst(%dma_wait3A_262 : memref<200x128xf32, #tpu.memory_space<hbm>>)
      %add3A_267 = arith.constant 4 : i32
      %add3A_268 = arith.addi %add3A_226, %add3A_267 : i32
      %mul3A_269 = arith.constant 200 : i32
      %mul3A_270 = arith.muli %add3A_268, %mul3A_269 : i32
      %add3A_271 = arith.addi %mul3A_2, %mul3A_270 : i32
      %dma_start3A_272 = tpu.memref_slice %arg2[%add3A_271] : memref<819200xi32, #tpu.memory_space<hbm>> -> memref<200xi32, #tpu.memory_space<hbm>>
      %dma_start3A_273 = tpu.memref_slice %arg2[%add3A_271] : memref<819200xi32, #tpu.memory_space<hbm>> -> memref<200xi32, #tpu.memory_space<hbm>>
      tpu.enqueue_dma source(%dma_start3A_273 : memref<200xi32, #tpu.memory_space<hbm>>) target(%arg5 : memref<200xi32, #tpu.memory_space<vmem>>) target_semaphore(%arg10 : memref<!tpu.dma_semaphore, #tpu.memory_space<semaphore_mem>>)
      %add3A_274 = arith.constant 4 : i32
      %add3A_275 = arith.addi %add3A_226, %add3A_274 : i32
      %mul3A_276 = arith.constant 200 : i32
      %mul3A_277 = arith.muli %add3A_275, %mul3A_276 : i32
      %add3A_278 = arith.addi %mul3A_2, %mul3A_277 : i32
      %dma_wait3A_279 = tpu.memref_slice %arg2[%add3A_278] : memref<819200xi32, #tpu.memory_space<hbm>> -> memref<200xi32, #tpu.memory_space<hbm>>
      %dma_wait3A_280 = tpu.memref_slice %arg2[%add3A_278] : memref<819200xi32, #tpu.memory_space<hbm>> -> memref<200xi32, #tpu.memory_space<hbm>>
      tpu.wait_dma2 semaphore(%arg10 : memref<!tpu.dma_semaphore, #tpu.memory_space<semaphore_mem>>) src(%dma_wait3A_280 : memref<200xi32, #tpu.memory_space<hbm>>) dst(%arg5 : memref<200xi32, #tpu.memory_space<vmem>>)
      %dma_start3A_281 = arith.constant 0 : i32
      %dma_start3A_282 = arith.constant 0 : i32
      %dma_start3A_283 = arith.constant 0 : i32
      %dma_start3A_284 = tpu.memref_slice %arg9[%dma_start3A_281, %dma_start3A_282, %dma_start3A_283] : memref<4x200x128xf32, #tpu.memory_space<vmem>> -> memref<1x200x128xf32, #tpu.memory_space<vmem>>
      %dma_start3A_285 = tpu.memref_squeeze %dma_start3A_284 : memref<1x200x128xf32, #tpu.memory_space<vmem>> -> memref<200x128xf32, #tpu.memory_space<vmem>>
      %dma_start3A_286 = arith.constant 0 : i32
      %dma_start3A_287 = arith.constant 0 : i32
      %dma_start3A_288 = tpu.memref_slice %arg3[%dma_start3A_286, %dma_start3A_287] : memref<1000000x128xf32, #tpu.memory_space<hbm>> -> memref<1000000x128xf32, #tpu.memory_space<hbm>>
      tpu.enqueue_indirect_dma source(%dma_start3A_288 : memref<1000000x128xf32, #tpu.memory_space<hbm>>) target(%dma_start3A_285 : memref<200x128xf32, #tpu.memory_space<vmem>>) offsets(%arg5 : memref<200xi32, #tpu.memory_space<vmem>>) semaphore(%arg14 : memref<!tpu.dma_semaphore, #tpu.memory_space<semaphore_mem>>)
      %mul3A_289 = arith.constant 4 : i32
      %mul3A_290 = arith.muli %mul3A_289, %scan3A_222 : i32
      %add3A_291 = arith.constant 1 : i32
      %add3A_292 = arith.addi %mul3A_290, %add3A_291 : i32
      %dma_wait3A_293 = arith.constant 1 : i32
      %dma_wait3A_294 = arith.constant 0 : i32
      %dma_wait3A_295 = arith.constant 0 : i32
      %dma_wait3A_296 = tpu.memref_slice %arg9[%dma_wait3A_293, %dma_wait3A_294, %dma_wait3A_295] : memref<4x200x128xf32, #tpu.memory_space<vmem>> -> memref<1x200x128xf32, #tpu.memory_space<vmem>>
      %dma_wait3A_297 = tpu.memref_squeeze %dma_wait3A_296 : memref<1x200x128xf32, #tpu.memory_space<vmem>> -> memref<200x128xf32, #tpu.memory_space<vmem>>
      %dma_wait3A_298 = arith.constant 0 : i32
      %dma_wait3A_299 = arith.constant 0 : i32
      %dma_wait3A_300 = tpu.memref_slice %arg3[%dma_wait3A_298, %dma_wait3A_299] : memref<1000000x128xf32, #tpu.memory_space<hbm>> -> memref<1000000x128xf32, #tpu.memory_space<hbm>>
      tpu.wait_indirect_dma semaphore(%arg15 : memref<!tpu.dma_semaphore, #tpu.memory_space<semaphore_mem>>) src(%dma_wait3A_300 : memref<1000000x128xf32, #tpu.memory_space<hbm>>) dst(%dma_wait3A_297 : memref<200x128xf32, #tpu.memory_space<vmem>>)
      %mul3A_301 = arith.constant 200 : i32
      %mul3A_302 = arith.muli %add3A_292, %mul3A_301 : i32
      %add3A_303 = arith.addi %mul3A_2, %mul3A_302 : i32
      %dma_start3A_304 = arith.constant 1 : i32
      %dma_start3A_305 = arith.constant 0 : i32
      %dma_start3A_306 = arith.constant 0 : i32
      %dma_start3A_307 = tpu.memref_slice %arg9[%dma_start3A_304, %dma_start3A_305, %dma_start3A_306] : memref<4x200x128xf32, #tpu.memory_space<vmem>> -> memref<1x200x128xf32, #tpu.memory_space<vmem>>
      %dma_start3A_308 = tpu.memref_squeeze %dma_start3A_307 : memref<1x200x128xf32, #tpu.memory_space<vmem>> -> memref<200x128xf32, #tpu.memory_space<vmem>>
      %dma_start3A_309 = arith.constant 0 : i32
      %dma_start3A_310 = tpu.memref_slice %arg4[%add3A_303, %dma_start3A_309] : memref<819200x128xf32, #tpu.memory_space<hbm>> -> memref<200x128xf32, #tpu.memory_space<hbm>>
      %dma_start3A_311 = arith.constant 0 : i32
      %dma_start3A_312 = tpu.memref_slice %arg4[%add3A_303, %dma_start3A_311] : memref<819200x128xf32, #tpu.memory_space<hbm>> -> memref<200x128xf32, #tpu.memory_space<hbm>>
      %dma_start3A_313 = arith.constant 0 : i32
      %dma_start3A_314 = arith.constant 0 : i32
      %dma_start3A_315 = tpu.memref_slice %arg9[%dma_start3A_304, %dma_start3A_313, %dma_start3A_314] : memref<4x200x128xf32, #tpu.memory_space<vmem>> -> memref<1x200x128xf32, #tpu.memory_space<vmem>>
      %dma_start3A_316 = tpu.memref_squeeze %dma_start3A_315 : memref<1x200x128xf32, #tpu.memory_space<vmem>> -> memref<200x128xf32, #tpu.memory_space<vmem>>
      tpu.enqueue_dma source(%dma_start3A_316 : memref<200x128xf32, #tpu.memory_space<vmem>>) target(%dma_start3A_312 : memref<200x128xf32, #tpu.memory_space<hbm>>) target_semaphore(%arg19 : memref<!tpu.dma_semaphore, #tpu.memory_space<semaphore_mem>>)
      %mul3A_317 = arith.constant 200 : i32
      %mul3A_318 = arith.muli %add3A_292, %mul3A_317 : i32
      %add3A_319 = arith.addi %mul3A_2, %mul3A_318 : i32
      %dma_wait3A_320 = arith.constant 1 : i32
      %dma_wait3A_321 = arith.constant 0 : i32
      %dma_wait3A_322 = arith.constant 0 : i32
      %dma_wait3A_323 = tpu.memref_slice %arg9[%dma_wait3A_320, %dma_wait3A_321, %dma_wait3A_322] : memref<4x200x128xf32, #tpu.memory_space<vmem>> -> memref<1x200x128xf32, #tpu.memory_space<vmem>>
      %dma_wait3A_324 = tpu.memref_squeeze %dma_wait3A_323 : memref<1x200x128xf32, #tpu.memory_space<vmem>> -> memref<200x128xf32, #tpu.memory_space<vmem>>
      %dma_wait3A_325 = arith.constant 0 : i32
      %dma_wait3A_326 = tpu.memref_slice %arg4[%add3A_319, %dma_wait3A_325] : memref<819200x128xf32, #tpu.memory_space<hbm>> -> memref<200x128xf32, #tpu.memory_space<hbm>>
      %dma_wait3A_327 = arith.constant 0 : i32
      %dma_wait3A_328 = tpu.memref_slice %arg4[%add3A_319, %dma_wait3A_327] : memref<819200x128xf32, #tpu.memory_space<hbm>> -> memref<200x128xf32, #tpu.memory_space<hbm>>
      %dma_wait3A_329 = arith.constant 0 : i32
      %dma_wait3A_330 = arith.constant 0 : i32
      %dma_wait3A_331 = tpu.memref_slice %arg9[%dma_wait3A_320, %dma_wait3A_329, %dma_wait3A_330] : memref<4x200x128xf32, #tpu.memory_space<vmem>> -> memref<1x200x128xf32, #tpu.memory_space<vmem>>
      %dma_wait3A_332 = tpu.memref_squeeze %dma_wait3A_331 : memref<1x200x128xf32, #tpu.memory_space<vmem>> -> memref<200x128xf32, #tpu.memory_space<vmem>>
      tpu.wait_dma2 semaphore(%arg19 : memref<!tpu.dma_semaphore, #tpu.memory_space<semaphore_mem>>) src(%dma_wait3A_332 : memref<200x128xf32, #tpu.memory_space<vmem>>) dst(%dma_wait3A_328 : memref<200x128xf32, #tpu.memory_space<hbm>>)
      %add3A_333 = arith.constant 4 : i32
      %add3A_334 = arith.addi %add3A_292, %add3A_333 : i32
      %mul3A_335 = arith.constant 200 : i32
      %mul3A_336 = arith.muli %add3A_334, %mul3A_335 : i32
      %add3A_337 = arith.addi %mul3A_2, %mul3A_336 : i32
      %dma_start3A_338 = tpu.memref_slice %arg2[%add3A_337] : memref<819200xi32, #tpu.memory_space<hbm>> -> memref<200xi32, #tpu.memory_space<hbm>>
      %dma_start3A_339 = tpu.memref_slice %arg2[%add3A_337] : memref<819200xi32, #tpu.memory_space<hbm>> -> memref<200xi32, #tpu.memory_space<hbm>>
      tpu.enqueue_dma source(%dma_start3A_339 : memref<200xi32, #tpu.memory_space<hbm>>) target(%arg6 : memref<200xi32, #tpu.memory_space<vmem>>) target_semaphore(%arg11 : memref<!tpu.dma_semaphore, #tpu.memory_space<semaphore_mem>>)
      %add3A_340 = arith.constant 4 : i32
      %add3A_341 = arith.addi %add3A_292, %add3A_340 : i32
      %mul3A_342 = arith.constant 200 : i32
      %mul3A_343 = arith.muli %add3A_341, %mul3A_342 : i32
      %add3A_344 = arith.addi %mul3A_2, %mul3A_343 : i32
      %dma_wait3A_345 = tpu.memref_slice %arg2[%add3A_344] : memref<819200xi32, #tpu.memory_space<hbm>> -> memref<200xi32, #tpu.memory_space<hbm>>
      %dma_wait3A_346 = tpu.memref_slice %arg2[%add3A_344] : memref<819200xi32, #tpu.memory_space<hbm>> -> memref<200xi32, #tpu.memory_space<hbm>>
      tpu.wait_dma2 semaphore(%arg11 : memref<!tpu.dma_semaphore, #tpu.memory_space<semaphore_mem>>) src(%dma_wait3A_346 : memref<200xi32, #tpu.memory_space<hbm>>) dst(%arg6 : memref<200xi32, #tpu.memory_space<vmem>>)
      %dma_start3A_347 = arith.constant 1 : i32
      %dma_start3A_348 = arith.constant 0 : i32
      %dma_start3A_349 = arith.constant 0 : i32
      %dma_start3A_350 = tpu.memref_slice %arg9[%dma_start3A_347, %dma_start3A_348, %dma_start3A_349] : memref<4x200x128xf32, #tpu.memory_space<vmem>> -> memref<1x200x128xf32, #tpu.memory_space<vmem>>
      %dma_start3A_351 = tpu.memref_squeeze %dma_start3A_350 : memref<1x200x128xf32, #tpu.memory_space<vmem>> -> memref<200x128xf32, #tpu.memory_space<vmem>>
      %dma_start3A_352 = arith.constant 0 : i32
      %dma_start3A_353 = arith.constant 0 : i32
      %dma_start3A_354 = tpu.memref_slice %arg3[%dma_start3A_352, %dma_start3A_353] : memref<1000000x128xf32, #tpu.memory_space<hbm>> -> memref<1000000x128xf32, #tpu.memory_space<hbm>>
      tpu.enqueue_indirect_dma source(%dma_start3A_354 : memref<1000000x128xf32, #tpu.memory_space<hbm>>) target(%dma_start3A_351 : memref<200x128xf32, #tpu.memory_space<vmem>>) offsets(%arg6 : memref<200xi32, #tpu.memory_space<vmem>>) semaphore(%arg15 : memref<!tpu.dma_semaphore, #tpu.memory_space<semaphore_mem>>)
      %mul3A_355 = arith.constant 4 : i32
      %mul3A_356 = arith.muli %mul3A_355, %scan3A_222 : i32
      %add3A_357 = arith.constant 2 : i32
      %add3A_358 = arith.addi %mul3A_356, %add3A_357 : i32
      %dma_wait3A_359 = arith.constant 2 : i32
      %dma_wait3A_360 = arith.constant 0 : i32
      %dma_wait3A_361 = arith.constant 0 : i32
      %dma_wait3A_362 = tpu.memref_slice %arg9[%dma_wait3A_359, %dma_wait3A_360, %dma_wait3A_361] : memref<4x200x128xf32, #tpu.memory_space<vmem>> -> memref<1x200x128xf32, #tpu.memory_space<vmem>>
      %dma_wait3A_363 = tpu.memref_squeeze %dma_wait3A_362 : memref<1x200x128xf32, #tpu.memory_space<vmem>> -> memref<200x128xf32, #tpu.memory_space<vmem>>
      %dma_wait3A_364 = arith.constant 0 : i32
      %dma_wait3A_365 = arith.constant 0 : i32
      %dma_wait3A_366 = tpu.memref_slice %arg3[%dma_wait3A_364, %dma_wait3A_365] : memref<1000000x128xf32, #tpu.memory_space<hbm>> -> memref<1000000x128xf32, #tpu.memory_space<hbm>>
      tpu.wait_indirect_dma semaphore(%arg16 : memref<!tpu.dma_semaphore, #tpu.memory_space<semaphore_mem>>) src(%dma_wait3A_366 : memref<1000000x128xf32, #tpu.memory_space<hbm>>) dst(%dma_wait3A_363 : memref<200x128xf32, #tpu.memory_space<vmem>>)
      %mul3A_367 = arith.constant 200 : i32
      %mul3A_368 = arith.muli %add3A_358, %mul3A_367 : i32
      %add3A_369 = arith.addi %mul3A_2, %mul3A_368 : i32
      %dma_start3A_370 = arith.constant 2 : i32
      %dma_start3A_371 = arith.constant 0 : i32
      %dma_start3A_372 = arith.constant 0 : i32
      %dma_start3A_373 = tpu.memref_slice %arg9[%dma_start3A_370, %dma_start3A_371, %dma_start3A_372] : memref<4x200x128xf32, #tpu.memory_space<vmem>> -> memref<1x200x128xf32, #tpu.memory_space<vmem>>
      %dma_start3A_374 = tpu.memref_squeeze %dma_start3A_373 : memref<1x200x128xf32, #tpu.memory_space<vmem>> -> memref<200x128xf32, #tpu.memory_space<vmem>>
      %dma_start3A_375 = arith.constant 0 : i32
      %dma_start3A_376 = tpu.memref_slice %arg4[%add3A_369, %dma_start3A_375] : memref<819200x128xf32, #tpu.memory_space<hbm>> -> memref<200x128xf32, #tpu.memory_space<hbm>>
      %dma_start3A_377 = arith.constant 0 : i32
      %dma_start3A_378 = tpu.memref_slice %arg4[%add3A_369, %dma_start3A_377] : memref<819200x128xf32, #tpu.memory_space<hbm>> -> memref<200x128xf32, #tpu.memory_space<hbm>>
      %dma_start3A_379 = arith.constant 0 : i32
      %dma_start3A_380 = arith.constant 0 : i32
      %dma_start3A_381 = tpu.memref_slice %arg9[%dma_start3A_370, %dma_start3A_379, %dma_start3A_380] : memref<4x200x128xf32, #tpu.memory_space<vmem>> -> memref<1x200x128xf32, #tpu.memory_space<vmem>>
      %dma_start3A_382 = tpu.memref_squeeze %dma_start3A_381 : memref<1x200x128xf32, #tpu.memory_space<vmem>> -> memref<200x128xf32, #tpu.memory_space<vmem>>
      tpu.enqueue_dma source(%dma_start3A_382 : memref<200x128xf32, #tpu.memory_space<vmem>>) target(%dma_start3A_378 : memref<200x128xf32, #tpu.memory_space<hbm>>) target_semaphore(%arg20 : memref<!tpu.dma_semaphore, #tpu.memory_space<semaphore_mem>>)
      %mul3A_383 = arith.constant 200 : i32
      %mul3A_384 = arith.muli %add3A_358, %mul3A_383 : i32
      %add3A_385 = arith.addi %mul3A_2, %mul3A_384 : i32
      %dma_wait3A_386 = arith.constant 2 : i32
      %dma_wait3A_387 = arith.constant 0 : i32
      %dma_wait3A_388 = arith.constant 0 : i32
      %dma_wait3A_389 = tpu.memref_slice %arg9[%dma_wait3A_386, %dma_wait3A_387, %dma_wait3A_388] : memref<4x200x128xf32, #tpu.memory_space<vmem>> -> memref<1x200x128xf32, #tpu.memory_space<vmem>>
      %dma_wait3A_390 = tpu.memref_squeeze %dma_wait3A_389 : memref<1x200x128xf32, #tpu.memory_space<vmem>> -> memref<200x128xf32, #tpu.memory_space<vmem>>
      %dma_wait3A_391 = arith.constant 0 : i32
      %dma_wait3A_392 = tpu.memref_slice %arg4[%add3A_385, %dma_wait3A_391] : memref<819200x128xf32, #tpu.memory_space<hbm>> -> memref<200x128xf32, #tpu.memory_space<hbm>>
      %dma_wait3A_393 = arith.constant 0 : i32
      %dma_wait3A_394 = tpu.memref_slice %arg4[%add3A_385, %dma_wait3A_393] : memref<819200x128xf32, #tpu.memory_space<hbm>> -> memref<200x128xf32, #tpu.memory_space<hbm>>
      %dma_wait3A_395 = arith.constant 0 : i32
      %dma_wait3A_396 = arith.constant 0 : i32
      %dma_wait3A_397 = tpu.memref_slice %arg9[%dma_wait3A_386, %dma_wait3A_395, %dma_wait3A_396] : memref<4x200x128xf32, #tpu.memory_space<vmem>> -> memref<1x200x128xf32, #tpu.memory_space<vmem>>
      %dma_wait3A_398 = tpu.memref_squeeze %dma_wait3A_397 : memref<1x200x128xf32, #tpu.memory_space<vmem>> -> memref<200x128xf32, #tpu.memory_space<vmem>>
      tpu.wait_dma2 semaphore(%arg20 : memref<!tpu.dma_semaphore, #tpu.memory_space<semaphore_mem>>) src(%dma_wait3A_398 : memref<200x128xf32, #tpu.memory_space<vmem>>) dst(%dma_wait3A_394 : memref<200x128xf32, #tpu.memory_space<hbm>>)
      %add3A_399 = arith.constant 4 : i32
      %add3A_400 = arith.addi %add3A_358, %add3A_399 : i32
      %mul3A_401 = arith.constant 200 : i32
      %mul3A_402 = arith.muli %add3A_400, %mul3A_401 : i32
      %add3A_403 = arith.addi %mul3A_2, %mul3A_402 : i32
      %dma_start3A_404 = tpu.memref_slice %arg2[%add3A_403] : memref<819200xi32, #tpu.memory_space<hbm>> -> memref<200xi32, #tpu.memory_space<hbm>>
      %dma_start3A_405 = tpu.memref_slice %arg2[%add3A_403] : memref<819200xi32, #tpu.memory_space<hbm>> -> memref<200xi32, #tpu.memory_space<hbm>>
      tpu.enqueue_dma source(%dma_start3A_405 : memref<200xi32, #tpu.memory_space<hbm>>) target(%arg7 : memref<200xi32, #tpu.memory_space<vmem>>) target_semaphore(%arg12 : memref<!tpu.dma_semaphore, #tpu.memory_space<semaphore_mem>>)
      %add3A_406 = arith.constant 4 : i32
      %add3A_407 = arith.addi %add3A_358, %add3A_406 : i32
      %mul3A_408 = arith.constant 200 : i32
      %mul3A_409 = arith.muli %add3A_407, %mul3A_408 : i32
      %add3A_410 = arith.addi %mul3A_2, %mul3A_409 : i32
      %dma_wait3A_411 = tpu.memref_slice %arg2[%add3A_410] : memref<819200xi32, #tpu.memory_space<hbm>> -> memref<200xi32, #tpu.memory_space<hbm>>
      %dma_wait3A_412 = tpu.memref_slice %arg2[%add3A_410] : memref<819200xi32, #tpu.memory_space<hbm>> -> memref<200xi32, #tpu.memory_space<hbm>>
      tpu.wait_dma2 semaphore(%arg12 : memref<!tpu.dma_semaphore, #tpu.memory_space<semaphore_mem>>) src(%dma_wait3A_412 : memref<200xi32, #tpu.memory_space<hbm>>) dst(%arg7 : memref<200xi32, #tpu.memory_space<vmem>>)
      %dma_start3A_413 = arith.constant 2 : i32
      %dma_start3A_414 = arith.constant 0 : i32
      %dma_start3A_415 = arith.constant 0 : i32
      %dma_start3A_416 = tpu.memref_slice %arg9[%dma_start3A_413, %dma_start3A_414, %dma_start3A_415] : memref<4x200x128xf32, #tpu.memory_space<vmem>> -> memref<1x200x128xf32, #tpu.memory_space<vmem>>
      %dma_start3A_417 = tpu.memref_squeeze %dma_start3A_416 : memref<1x200x128xf32, #tpu.memory_space<vmem>> -> memref<200x128xf32, #tpu.memory_space<vmem>>
      %dma_start3A_418 = arith.constant 0 : i32
      %dma_start3A_419 = arith.constant 0 : i32
      %dma_start3A_420 = tpu.memref_slice %arg3[%dma_start3A_418, %dma_start3A_419] : memref<1000000x128xf32, #tpu.memory_space<hbm>> -> memref<1000000x128xf32, #tpu.memory_space<hbm>>
      tpu.enqueue_indirect_dma source(%dma_start3A_420 : memref<1000000x128xf32, #tpu.memory_space<hbm>>) target(%dma_start3A_417 : memref<200x128xf32, #tpu.memory_space<vmem>>) offsets(%arg7 : memref<200xi32, #tpu.memory_space<vmem>>) semaphore(%arg16 : memref<!tpu.dma_semaphore, #tpu.memory_space<semaphore_mem>>)
      %mul3A_421 = arith.constant 4 : i32
      %mul3A_422 = arith.muli %mul3A_421, %scan3A_222 : i32
      %add3A_423 = arith.constant 3 : i32
      %add3A_424 = arith.addi %mul3A_422, %add3A_423 : i32
      %dma_wait3A_425 = arith.constant 3 : i32
      %dma_wait3A_426 = arith.constant 0 : i32
      %dma_wait3A_427 = arith.constant 0 : i32
      %dma_wait3A_428 = tpu.memref_slice %arg9[%dma_wait3A_425, %dma_wait3A_426, %dma_wait3A_427] : memref<4x200x128xf32, #tpu.memory_space<vmem>> -> memref<1x200x128xf32, #tpu.memory_space<vmem>>
      %dma_wait3A_429 = tpu.memref_squeeze %dma_wait3A_428 : memref<1x200x128xf32, #tpu.memory_space<vmem>> -> memref<200x128xf32, #tpu.memory_space<vmem>>
      %dma_wait3A_430 = arith.constant 0 : i32
      %dma_wait3A_431 = arith.constant 0 : i32
      %dma_wait3A_432 = tpu.memref_slice %arg3[%dma_wait3A_430, %dma_wait3A_431] : memref<1000000x128xf32, #tpu.memory_space<hbm>> -> memref<1000000x128xf32, #tpu.memory_space<hbm>>
      tpu.wait_indirect_dma semaphore(%arg17 : memref<!tpu.dma_semaphore, #tpu.memory_space<semaphore_mem>>) src(%dma_wait3A_432 : memref<1000000x128xf32, #tpu.memory_space<hbm>>) dst(%dma_wait3A_429 : memref<200x128xf32, #tpu.memory_space<vmem>>)
      %mul3A_433 = arith.constant 200 : i32
      %mul3A_434 = arith.muli %add3A_424, %mul3A_433 : i32
      %add3A_435 = arith.addi %mul3A_2, %mul3A_434 : i32
      %dma_start3A_436 = arith.constant 3 : i32
      %dma_start3A_437 = arith.constant 0 : i32
      %dma_start3A_438 = arith.constant 0 : i32
      %dma_start3A_439 = tpu.memref_slice %arg9[%dma_start3A_436, %dma_start3A_437, %dma_start3A_438] : memref<4x200x128xf32, #tpu.memory_space<vmem>> -> memref<1x200x128xf32, #tpu.memory_space<vmem>>
      %dma_start3A_440 = tpu.memref_squeeze %dma_start3A_439 : memref<1x200x128xf32, #tpu.memory_space<vmem>> -> memref<200x128xf32, #tpu.memory_space<vmem>>
      %dma_start3A_441 = arith.constant 0 : i32
      %dma_start3A_442 = tpu.memref_slice %arg4[%add3A_435, %dma_start3A_441] : memref<819200x128xf32, #tpu.memory_space<hbm>> -> memref<200x128xf32, #tpu.memory_space<hbm>>
      %dma_start3A_443 = arith.constant 0 : i32
      %dma_start3A_444 = tpu.memref_slice %arg4[%add3A_435, %dma_start3A_443] : memref<819200x128xf32, #tpu.memory_space<hbm>> -> memref<200x128xf32, #tpu.memory_space<hbm>>
      %dma_start3A_445 = arith.constant 0 : i32
      %dma_start3A_446 = arith.constant 0 : i32
      %dma_start3A_447 = tpu.memref_slice %arg9[%dma_start3A_436, %dma_start3A_445, %dma_start3A_446] : memref<4x200x128xf32, #tpu.memory_space<vmem>> -> memref<1x200x128xf32, #tpu.memory_space<vmem>>
      %dma_start3A_448 = tpu.memref_squeeze %dma_start3A_447 : memref<1x200x128xf32, #tpu.memory_space<vmem>> -> memref<200x128xf32, #tpu.memory_space<vmem>>
      tpu.enqueue_dma source(%dma_start3A_448 : memref<200x128xf32, #tpu.memory_space<vmem>>) target(%dma_start3A_444 : memref<200x128xf32, #tpu.memory_space<hbm>>) target_semaphore(%arg21 : memref<!tpu.dma_semaphore, #tpu.memory_space<semaphore_mem>>)
      %mul3A_449 = arith.constant 200 : i32
      %mul3A_450 = arith.muli %add3A_424, %mul3A_449 : i32
      %add3A_451 = arith.addi %mul3A_2, %mul3A_450 : i32
      %dma_wait3A_452 = arith.constant 3 : i32
      %dma_wait3A_453 = arith.constant 0 : i32
      %dma_wait3A_454 = arith.constant 0 : i32
      %dma_wait3A_455 = tpu.memref_slice %arg9[%dma_wait3A_452, %dma_wait3A_453, %dma_wait3A_454] : memref<4x200x128xf32, #tpu.memory_space<vmem>> -> memref<1x200x128xf32, #tpu.memory_space<vmem>>
      %dma_wait3A_456 = tpu.memref_squeeze %dma_wait3A_455 : memref<1x200x128xf32, #tpu.memory_space<vmem>> -> memref<200x128xf32, #tpu.memory_space<vmem>>
      %dma_wait3A_457 = arith.constant 0 : i32
      %dma_wait3A_458 = tpu.memref_slice %arg4[%add3A_451, %dma_wait3A_457] : memref<819200x128xf32, #tpu.memory_space<hbm>> -> memref<200x128xf32, #tpu.memory_space<hbm>>
      %dma_wait3A_459 = arith.constant 0 : i32
      %dma_wait3A_460 = tpu.memref_slice %arg4[%add3A_451, %dma_wait3A_459] : memref<819200x128xf32, #tpu.memory_space<hbm>> -> memref<200x128xf32, #tpu.memory_space<hbm>>
      %dma_wait3A_461 = arith.constant 0 : i32
      %dma_wait3A_462 = arith.constant 0 : i32
      %dma_wait3A_463 = tpu.memref_slice %arg9[%dma_wait3A_452, %dma_wait3A_461, %dma_wait3A_462] : memref<4x200x128xf32, #tpu.memory_space<vmem>> -> memref<1x200x128xf32, #tpu.memory_space<vmem>>
      %dma_wait3A_464 = tpu.memref_squeeze %dma_wait3A_463 : memref<1x200x128xf32, #tpu.memory_space<vmem>> -> memref<200x128xf32, #tpu.memory_space<vmem>>
      tpu.wait_dma2 semaphore(%arg21 : memref<!tpu.dma_semaphore, #tpu.memory_space<semaphore_mem>>) src(%dma_wait3A_464 : memref<200x128xf32, #tpu.memory_space<vmem>>) dst(%dma_wait3A_460 : memref<200x128xf32, #tpu.memory_space<hbm>>)
      %add3A_465 = arith.constant 4 : i32
      %add3A_466 = arith.addi %add3A_424, %add3A_465 : i32
      %mul3A_467 = arith.constant 200 : i32
      %mul3A_468 = arith.muli %add3A_466, %mul3A_467 : i32
      %add3A_469 = arith.addi %mul3A_2, %mul3A_468 : i32
      %dma_start3A_470 = tpu.memref_slice %arg2[%add3A_469] : memref<819200xi32, #tpu.memory_space<hbm>> -> memref<200xi32, #tpu.memory_space<hbm>>
      %dma_start3A_471 = tpu.memref_slice %arg2[%add3A_469] : memref<819200xi32, #tpu.memory_space<hbm>> -> memref<200xi32, #tpu.memory_space<hbm>>
      tpu.enqueue_dma source(%dma_start3A_471 : memref<200xi32, #tpu.memory_space<hbm>>) target(%arg8 : memref<200xi32, #tpu.memory_space<vmem>>) target_semaphore(%arg13 : memref<!tpu.dma_semaphore, #tpu.memory_space<semaphore_mem>>)
      %add3A_472 = arith.constant 4 : i32
      %add3A_473 = arith.addi %add3A_424, %add3A_472 : i32
      %mul3A_474 = arith.constant 200 : i32
      %mul3A_475 = arith.muli %add3A_473, %mul3A_474 : i32
      %add3A_476 = arith.addi %mul3A_2, %mul3A_475 : i32
      %dma_wait3A_477 = tpu.memref_slice %arg2[%add3A_476] : memref<819200xi32, #tpu.memory_space<hbm>> -> memref<200xi32, #tpu.memory_space<hbm>>
      %dma_wait3A_478 = tpu.memref_slice %arg2[%add3A_476] : memref<819200xi32, #tpu.memory_space<hbm>> -> memref<200xi32, #tpu.memory_space<hbm>>
      tpu.wait_dma2 semaphore(%arg13 : memref<!tpu.dma_semaphore, #tpu.memory_space<semaphore_mem>>) src(%dma_wait3A_478 : memref<200xi32, #tpu.memory_space<hbm>>) dst(%arg8 : memref<200xi32, #tpu.memory_space<vmem>>)
      %dma_start3A_479 = arith.constant 3 : i32
      %dma_start3A_480 = arith.constant 0 : i32
      %dma_start3A_481 = arith.constant 0 : i32
      %dma_start3A_482 = tpu.memref_slice %arg9[%dma_start3A_479, %dma_start3A_480, %dma_start3A_481] : memref<4x200x128xf32, #tpu.memory_space<vmem>> -> memref<1x200x128xf32, #tpu.memory_space<vmem>>
      %dma_start3A_483 = tpu.memref_squeeze %dma_start3A_482 : memref<1x200x128xf32, #tpu.memory_space<vmem>> -> memref<200x128xf32, #tpu.memory_space<vmem>>
      %dma_start3A_484 = arith.constant 0 : i32
      %dma_start3A_485 = arith.constant 0 : i32
      %dma_start3A_486 = tpu.memref_slice %arg3[%dma_start3A_484, %dma_start3A_485] : memref<1000000x128xf32, #tpu.memory_space<hbm>> -> memref<1000000x128xf32, #tpu.memory_space<hbm>>
      tpu.enqueue_indirect_dma source(%dma_start3A_486 : memref<1000000x128xf32, #tpu.memory_space<hbm>>) target(%dma_start3A_483 : memref<200x128xf32, #tpu.memory_space<vmem>>) offsets(%arg8 : memref<200xi32, #tpu.memory_space<vmem>>) semaphore(%arg17 : memref<!tpu.dma_semaphore, #tpu.memory_space<semaphore_mem>>)
    }
    %scan3A_69 = arith.constant 31 : i32
    %dma_wait3A_70 = arith.constant 0 : i32
    %dma_wait3A_71 = arith.constant 0 : i32
    %dma_wait3A_72 = arith.constant 0 : i32
    %dma_wait3A_73 = tpu.memref_slice %arg9[%dma_wait3A_70, %dma_wait3A_71, %dma_wait3A_72] : memref<4x200x128xf32, #tpu.memory_space<vmem>> -> memref<1x200x128xf32, #tpu.memory_space<vmem>>
    %dma_wait3A_74 = tpu.memref_squeeze %dma_wait3A_73 : memref<1x200x128xf32, #tpu.memory_space<vmem>> -> memref<200x128xf32, #tpu.memory_space<vmem>>
    %dma_wait3A_75 = arith.constant 0 : i32
    %dma_wait3A_76 = arith.constant 0 : i32
    %dma_wait3A_77 = tpu.memref_slice %arg3[%dma_wait3A_75, %dma_wait3A_76] : memref<1000000x128xf32, #tpu.memory_space<hbm>> -> memref<1000000x128xf32, #tpu.memory_space<hbm>>
    tpu.wait_indirect_dma semaphore(%arg14 : memref<!tpu.dma_semaphore, #tpu.memory_space<semaphore_mem>>) src(%dma_wait3A_77 : memref<1000000x128xf32, #tpu.memory_space<hbm>>) dst(%dma_wait3A_74 : memref<200x128xf32, #tpu.memory_space<vmem>>)
    %add3A_78 = arith.constant 24800 : i32
    %add3A_79 = arith.addi %mul3A_2, %add3A_78 : i32
    %dma_start3A_80 = arith.constant 0 : i32
    %dma_start3A_81 = arith.constant 0 : i32
    %dma_start3A_82 = arith.constant 0 : i32
    %dma_start3A_83 = tpu.memref_slice %arg9[%dma_start3A_80, %dma_start3A_81, %dma_start3A_82] : memref<4x200x128xf32, #tpu.memory_space<vmem>> -> memref<1x200x128xf32, #tpu.memory_space<vmem>>
    %dma_start3A_84 = tpu.memref_squeeze %dma_start3A_83 : memref<1x200x128xf32, #tpu.memory_space<vmem>> -> memref<200x128xf32, #tpu.memory_space<vmem>>
    %dma_start3A_85 = arith.constant 0 : i32
    %dma_start3A_86 = tpu.memref_slice %arg4[%add3A_79, %dma_start3A_85] : memref<819200x128xf32, #tpu.memory_space<hbm>> -> memref<200x128xf32, #tpu.memory_space<hbm>>
    %dma_start3A_87 = arith.constant 0 : i32
    %dma_start3A_88 = tpu.memref_slice %arg4[%add3A_79, %dma_start3A_87] : memref<819200x128xf32, #tpu.memory_space<hbm>> -> memref<200x128xf32, #tpu.memory_space<hbm>>
    %dma_start3A_89 = arith.constant 0 : i32
    %dma_start3A_90 = arith.constant 0 : i32
    %dma_start3A_91 = tpu.memref_slice %arg9[%dma_start3A_80, %dma_start3A_89, %dma_start3A_90] : memref<4x200x128xf32, #tpu.memory_space<vmem>> -> memref<1x200x128xf32, #tpu.memory_space<vmem>>
    %dma_start3A_92 = tpu.memref_squeeze %dma_start3A_91 : memref<1x200x128xf32, #tpu.memory_space<vmem>> -> memref<200x128xf32, #tpu.memory_space<vmem>>
    tpu.enqueue_dma source(%dma_start3A_92 : memref<200x128xf32, #tpu.memory_space<vmem>>) target(%dma_start3A_88 : memref<200x128xf32, #tpu.memory_space<hbm>>) target_semaphore(%arg18 : memref<!tpu.dma_semaphore, #tpu.memory_space<semaphore_mem>>)
    %dma_wait3A_93 = arith.constant 1 : i32
    %dma_wait3A_94 = arith.constant 0 : i32
    %dma_wait3A_95 = arith.constant 0 : i32
    %dma_wait3A_96 = tpu.memref_slice %arg9[%dma_wait3A_93, %dma_wait3A_94, %dma_wait3A_95] : memref<4x200x128xf32, #tpu.memory_space<vmem>> -> memref<1x200x128xf32, #tpu.memory_space<vmem>>
    %dma_wait3A_97 = tpu.memref_squeeze %dma_wait3A_96 : memref<1x200x128xf32, #tpu.memory_space<vmem>> -> memref<200x128xf32, #tpu.memory_space<vmem>>
    %dma_wait3A_98 = arith.constant 0 : i32
    %dma_wait3A_99 = arith.constant 0 : i32
    %dma_wait3A_100 = tpu.memref_slice %arg3[%dma_wait3A_98, %dma_wait3A_99] : memref<1000000x128xf32, #tpu.memory_space<hbm>> -> memref<1000000x128xf32, #tpu.memory_space<hbm>>
    tpu.wait_indirect_dma semaphore(%arg15 : memref<!tpu.dma_semaphore, #tpu.memory_space<semaphore_mem>>) src(%dma_wait3A_100 : memref<1000000x128xf32, #tpu.memory_space<hbm>>) dst(%dma_wait3A_97 : memref<200x128xf32, #tpu.memory_space<vmem>>)
    %add3A_101 = arith.constant 25000 : i32
    %add3A_102 = arith.addi %mul3A_2, %add3A_101 : i32
    %dma_start3A_103 = arith.constant 1 : i32
    %dma_start3A_104 = arith.constant 0 : i32
    %dma_start3A_105 = arith.constant 0 : i32
    %dma_start3A_106 = tpu.memref_slice %arg9[%dma_start3A_103, %dma_start3A_104, %dma_start3A_105] : memref<4x200x128xf32, #tpu.memory_space<vmem>> -> memref<1x200x128xf32, #tpu.memory_space<vmem>>
    %dma_start3A_107 = tpu.memref_squeeze %dma_start3A_106 : memref<1x200x128xf32, #tpu.memory_space<vmem>> -> memref<200x128xf32, #tpu.memory_space<vmem>>
    %dma_start3A_108 = arith.constant 0 : i32
    %dma_start3A_109 = tpu.memref_slice %arg4[%add3A_102, %dma_start3A_108] : memref<819200x128xf32, #tpu.memory_space<hbm>> -> memref<200x128xf32, #tpu.memory_space<hbm>>
    %dma_start3A_110 = arith.constant 0 : i32
    %dma_start3A_111 = tpu.memref_slice %arg4[%add3A_102, %dma_start3A_110] : memref<819200x128xf32, #tpu.memory_space<hbm>> -> memref<200x128xf32, #tpu.memory_space<hbm>>
    %dma_start3A_112 = arith.constant 0 : i32
    %dma_start3A_113 = arith.constant 0 : i32
    %dma_start3A_114 = tpu.memref_slice %arg9[%dma_start3A_103, %dma_start3A_112, %dma_start3A_113] : memref<4x200x128xf32, #tpu.memory_space<vmem>> -> memref<1x200x128xf32, #tpu.memory_space<vmem>>
    %dma_start3A_115 = tpu.memref_squeeze %dma_start3A_114 : memref<1x200x128xf32, #tpu.memory_space<vmem>> -> memref<200x128xf32, #tpu.memory_space<vmem>>
    tpu.enqueue_dma source(%dma_start3A_115 : memref<200x128xf32, #tpu.memory_space<vmem>>) target(%dma_start3A_111 : memref<200x128xf32, #tpu.memory_space<hbm>>) target_semaphore(%arg19 : memref<!tpu.dma_semaphore, #tpu.memory_space<semaphore_mem>>)
    %dma_wait3A_116 = arith.constant 2 : i32
    %dma_wait3A_117 = arith.constant 0 : i32
    %dma_wait3A_118 = arith.constant 0 : i32
    %dma_wait3A_119 = tpu.memref_slice %arg9[%dma_wait3A_116, %dma_wait3A_117, %dma_wait3A_118] : memref<4x200x128xf32, #tpu.memory_space<vmem>> -> memref<1x200x128xf32, #tpu.memory_space<vmem>>
    %dma_wait3A_120 = tpu.memref_squeeze %dma_wait3A_119 : memref<1x200x128xf32, #tpu.memory_space<vmem>> -> memref<200x128xf32, #tpu.memory_space<vmem>>
    %dma_wait3A_121 = arith.constant 0 : i32
    %dma_wait3A_122 = arith.constant 0 : i32
    %dma_wait3A_123 = tpu.memref_slice %arg3[%dma_wait3A_121, %dma_wait3A_122] : memref<1000000x128xf32, #tpu.memory_space<hbm>> -> memref<1000000x128xf32, #tpu.memory_space<hbm>>
    tpu.wait_indirect_dma semaphore(%arg16 : memref<!tpu.dma_semaphore, #tpu.memory_space<semaphore_mem>>) src(%dma_wait3A_123 : memref<1000000x128xf32, #tpu.memory_space<hbm>>) dst(%dma_wait3A_120 : memref<200x128xf32, #tpu.memory_space<vmem>>)
    %add3A_124 = arith.constant 25200 : i32
    %add3A_125 = arith.addi %mul3A_2, %add3A_124 : i32
    %dma_start3A_126 = arith.constant 2 : i32
    %dma_start3A_127 = arith.constant 0 : i32
    %dma_start3A_128 = arith.constant 0 : i32
    %dma_start3A_129 = tpu.memref_slice %arg9[%dma_start3A_126, %dma_start3A_127, %dma_start3A_128] : memref<4x200x128xf32, #tpu.memory_space<vmem>> -> memref<1x200x128xf32, #tpu.memory_space<vmem>>
    %dma_start3A_130 = tpu.memref_squeeze %dma_start3A_129 : memref<1x200x128xf32, #tpu.memory_space<vmem>> -> memref<200x128xf32, #tpu.memory_space<vmem>>
    %dma_start3A_131 = arith.constant 0 : i32
    %dma_start3A_132 = tpu.memref_slice %arg4[%add3A_125, %dma_start3A_131] : memref<819200x128xf32, #tpu.memory_space<hbm>> -> memref<200x128xf32, #tpu.memory_space<hbm>>
    %dma_start3A_133 = arith.constant 0 : i32
    %dma_start3A_134 = tpu.memref_slice %arg4[%add3A_125, %dma_start3A_133] : memref<819200x128xf32, #tpu.memory_space<hbm>> -> memref<200x128xf32, #tpu.memory_space<hbm>>
    %dma_start3A_135 = arith.constant 0 : i32
    %dma_start3A_136 = arith.constant 0 : i32
    %dma_start3A_137 = tpu.memref_slice %arg9[%dma_start3A_126, %dma_start3A_135, %dma_start3A_136] : memref<4x200x128xf32, #tpu.memory_space<vmem>> -> memref<1x200x128xf32, #tpu.memory_space<vmem>>
    %dma_start3A_138 = tpu.memref_squeeze %dma_start3A_137 : memref<1x200x128xf32, #tpu.memory_space<vmem>> -> memref<200x128xf32, #tpu.memory_space<vmem>>
    tpu.enqueue_dma source(%dma_start3A_138 : memref<200x128xf32, #tpu.memory_space<vmem>>) target(%dma_start3A_134 : memref<200x128xf32, #tpu.memory_space<hbm>>) target_semaphore(%arg20 : memref<!tpu.dma_semaphore, #tpu.memory_space<semaphore_mem>>)
    %dma_wait3A_139 = arith.constant 3 : i32
    %dma_wait3A_140 = arith.constant 0 : i32
    %dma_wait3A_141 = arith.constant 0 : i32
    %dma_wait3A_142 = tpu.memref_slice %arg9[%dma_wait3A_139, %dma_wait3A_140, %dma_wait3A_141] : memref<4x200x128xf32, #tpu.memory_space<vmem>> -> memref<1x200x128xf32, #tpu.memory_space<vmem>>
    %dma_wait3A_143 = tpu.memref_squeeze %dma_wait3A_142 : memref<1x200x128xf32, #tpu.memory_space<vmem>> -> memref<200x128xf32, #tpu.memory_space<vmem>>
    %dma_wait3A_144 = arith.constant 0 : i32
    %dma_wait3A_145 = arith.constant 0 : i32
    %dma_wait3A_146 = tpu.memref_slice %arg3[%dma_wait3A_144, %dma_wait3A_145] : memref<1000000x128xf32, #tpu.memory_space<hbm>> -> memref<1000000x128xf32, #tpu.memory_space<hbm>>
    tpu.wait_indirect_dma semaphore(%arg17 : memref<!tpu.dma_semaphore, #tpu.memory_space<semaphore_mem>>) src(%dma_wait3A_146 : memref<1000000x128xf32, #tpu.memory_space<hbm>>) dst(%dma_wait3A_143 : memref<200x128xf32, #tpu.memory_space<vmem>>)
    %add3A_147 = arith.constant 25400 : i32
    %add3A_148 = arith.addi %mul3A_2, %add3A_147 : i32
    %dma_start3A_149 = arith.constant 3 : i32
    %dma_start3A_150 = arith.constant 0 : i32
    %dma_start3A_151 = arith.constant 0 : i32
    %dma_start3A_152 = tpu.memref_slice %arg9[%dma_start3A_149, %dma_start3A_150, %dma_start3A_151] : memref<4x200x128xf32, #tpu.memory_space<vmem>> -> memref<1x200x128xf32, #tpu.memory_space<vmem>>
    %dma_start3A_153 = tpu.memref_squeeze %dma_start3A_152 : memref<1x200x128xf32, #tpu.memory_space<vmem>> -> memref<200x128xf32, #tpu.memory_space<vmem>>
    %dma_start3A_154 = arith.constant 0 : i32
    %dma_start3A_155 = tpu.memref_slice %arg4[%add3A_148, %dma_start3A_154] : memref<819200x128xf32, #tpu.memory_space<hbm>> -> memref<200x128xf32, #tpu.memory_space<hbm>>
    %dma_start3A_156 = arith.constant 0 : i32
    %dma_start3A_157 = tpu.memref_slice %arg4[%add3A_148, %dma_start3A_156] : memref<819200x128xf32, #tpu.memory_space<hbm>> -> memref<200x128xf32, #tpu.memory_space<hbm>>
    %dma_start3A_158 = arith.constant 0 : i32
    %dma_start3A_159 = arith.constant 0 : i32
    %dma_start3A_160 = tpu.memref_slice %arg9[%dma_start3A_149, %dma_start3A_158, %dma_start3A_159] : memref<4x200x128xf32, #tpu.memory_space<vmem>> -> memref<1x200x128xf32, #tpu.memory_space<vmem>>
    %dma_start3A_161 = tpu.memref_squeeze %dma_start3A_160 : memref<1x200x128xf32, #tpu.memory_space<vmem>> -> memref<200x128xf32, #tpu.memory_space<vmem>>
    tpu.enqueue_dma source(%dma_start3A_161 : memref<200x128xf32, #tpu.memory_space<vmem>>) target(%dma_start3A_157 : memref<200x128xf32, #tpu.memory_space<hbm>>) target_semaphore(%arg21 : memref<!tpu.dma_semaphore, #tpu.memory_space<semaphore_mem>>)
    %add3A_162 = arith.constant 24800 : i32
    %add3A_163 = arith.addi %mul3A_2, %add3A_162 : i32
    %dma_wait3A_164 = arith.constant 0 : i32
    %dma_wait3A_165 = arith.constant 0 : i32
    %dma_wait3A_166 = arith.constant 0 : i32
    %dma_wait3A_167 = tpu.memref_slice %arg9[%dma_wait3A_164, %dma_wait3A_165, %dma_wait3A_166] : memref<4x200x128xf32, #tpu.memory_space<vmem>> -> memref<1x200x128xf32, #tpu.memory_space<vmem>>
    %dma_wait3A_168 = tpu.memref_squeeze %dma_wait3A_167 : memref<1x200x128xf32, #tpu.memory_space<vmem>> -> memref<200x128xf32, #tpu.memory_space<vmem>>
    %dma_wait3A_169 = arith.constant 0 : i32
    %dma_wait3A_170 = tpu.memref_slice %arg4[%add3A_163, %dma_wait3A_169] : memref<819200x128xf32, #tpu.memory_space<hbm>> -> memref<200x128xf32, #tpu.memory_space<hbm>>
    %dma_wait3A_171 = arith.constant 0 : i32
    %dma_wait3A_172 = tpu.memref_slice %arg4[%add3A_163, %dma_wait3A_171] : memref<819200x128xf32, #tpu.memory_space<hbm>> -> memref<200x128xf32, #tpu.memory_space<hbm>>
    %dma_wait3A_173 = arith.constant 0 : i32
    %dma_wait3A_174 = arith.constant 0 : i32
    %dma_wait3A_175 = tpu.memref_slice %arg9[%dma_wait3A_164, %dma_wait3A_173, %dma_wait3A_174] : memref<4x200x128xf32, #tpu.memory_space<vmem>> -> memref<1x200x128xf32, #tpu.memory_space<vmem>>
    %dma_wait3A_176 = tpu.memref_squeeze %dma_wait3A_175 : memref<1x200x128xf32, #tpu.memory_space<vmem>> -> memref<200x128xf32, #tpu.memory_space<vmem>>
    tpu.wait_dma2 semaphore(%arg18 : memref<!tpu.dma_semaphore, #tpu.memory_space<semaphore_mem>>) src(%dma_wait3A_176 : memref<200x128xf32, #tpu.memory_space<vmem>>) dst(%dma_wait3A_172 : memref<200x128xf32, #tpu.memory_space<hbm>>)
    %add3A_177 = arith.constant 25000 : i32
    %add3A_178 = arith.addi %mul3A_2, %add3A_177 : i32
    %dma_wait3A_179 = arith.constant 1 : i32
    %dma_wait3A_180 = arith.constant 0 : i32
    %dma_wait3A_181 = arith.constant 0 : i32
    %dma_wait3A_182 = tpu.memref_slice %arg9[%dma_wait3A_179, %dma_wait3A_180, %dma_wait3A_181] : memref<4x200x128xf32, #tpu.memory_space<vmem>> -> memref<1x200x128xf32, #tpu.memory_space<vmem>>
    %dma_wait3A_183 = tpu.memref_squeeze %dma_wait3A_182 : memref<1x200x128xf32, #tpu.memory_space<vmem>> -> memref<200x128xf32, #tpu.memory_space<vmem>>
    %dma_wait3A_184 = arith.constant 0 : i32
    %dma_wait3A_185 = tpu.memref_slice %arg4[%add3A_178, %dma_wait3A_184] : memref<819200x128xf32, #tpu.memory_space<hbm>> -> memref<200x128xf32, #tpu.memory_space<hbm>>
    %dma_wait3A_186 = arith.constant 0 : i32
    %dma_wait3A_187 = tpu.memref_slice %arg4[%add3A_178, %dma_wait3A_186] : memref<819200x128xf32, #tpu.memory_space<hbm>> -> memref<200x128xf32, #tpu.memory_space<hbm>>
    %dma_wait3A_188 = arith.constant 0 : i32
    %dma_wait3A_189 = arith.constant 0 : i32
    %dma_wait3A_190 = tpu.memref_slice %arg9[%dma_wait3A_179, %dma_wait3A_188, %dma_wait3A_189] : memref<4x200x128xf32, #tpu.memory_space<vmem>> -> memref<1x200x128xf32, #tpu.memory_space<vmem>>
    %dma_wait3A_191 = tpu.memref_squeeze %dma_wait3A_190 : memref<1x200x128xf32, #tpu.memory_space<vmem>> -> memref<200x128xf32, #tpu.memory_space<vmem>>
    tpu.wait_dma2 semaphore(%arg19 : memref<!tpu.dma_semaphore, #tpu.memory_space<semaphore_mem>>) src(%dma_wait3A_191 : memref<200x128xf32, #tpu.memory_space<vmem>>) dst(%dma_wait3A_187 : memref<200x128xf32, #tpu.memory_space<hbm>>)
    %add3A_192 = arith.constant 25200 : i32
    %add3A_193 = arith.addi %mul3A_2, %add3A_192 : i32
    %dma_wait3A_194 = arith.constant 2 : i32
    %dma_wait3A_195 = arith.constant 0 : i32
    %dma_wait3A_196 = arith.constant 0 : i32
    %dma_wait3A_197 = tpu.memref_slice %arg9[%dma_wait3A_194, %dma_wait3A_195, %dma_wait3A_196] : memref<4x200x128xf32, #tpu.memory_space<vmem>> -> memref<1x200x128xf32, #tpu.memory_space<vmem>>
    %dma_wait3A_198 = tpu.memref_squeeze %dma_wait3A_197 : memref<1x200x128xf32, #tpu.memory_space<vmem>> -> memref<200x128xf32, #tpu.memory_space<vmem>>
    %dma_wait3A_199 = arith.constant 0 : i32
    %dma_wait3A_200 = tpu.memref_slice %arg4[%add3A_193, %dma_wait3A_199] : memref<819200x128xf32, #tpu.memory_space<hbm>> -> memref<200x128xf32, #tpu.memory_space<hbm>>
    %dma_wait3A_201 = arith.constant 0 : i32
    %dma_wait3A_202 = tpu.memref_slice %arg4[%add3A_193, %dma_wait3A_201] : memref<819200x128xf32, #tpu.memory_space<hbm>> -> memref<200x128xf32, #tpu.memory_space<hbm>>
    %dma_wait3A_203 = arith.constant 0 : i32
    %dma_wait3A_204 = arith.constant 0 : i32
    %dma_wait3A_205 = tpu.memref_slice %arg9[%dma_wait3A_194, %dma_wait3A_203, %dma_wait3A_204] : memref<4x200x128xf32, #tpu.memory_space<vmem>> -> memref<1x200x128xf32, #tpu.memory_space<vmem>>
    %dma_wait3A_206 = tpu.memref_squeeze %dma_wait3A_205 : memref<1x200x128xf32, #tpu.memory_space<vmem>> -> memref<200x128xf32, #tpu.memory_space<vmem>>
    tpu.wait_dma2 semaphore(%arg20 : memref<!tpu.dma_semaphore, #tpu.memory_space<semaphore_mem>>) src(%dma_wait3A_206 : memref<200x128xf32, #tpu.memory_space<vmem>>) dst(%dma_wait3A_202 : memref<200x128xf32, #tpu.memory_space<hbm>>)
    %add3A_207 = arith.constant 25400 : i32
    %add3A_208 = arith.addi %mul3A_2, %add3A_207 : i32
    %dma_wait3A_209 = arith.constant 3 : i32
    %dma_wait3A_210 = arith.constant 0 : i32
    %dma_wait3A_211 = arith.constant 0 : i32
    %dma_wait3A_212 = tpu.memref_slice %arg9[%dma_wait3A_209, %dma_wait3A_210, %dma_wait3A_211] : memref<4x200x128xf32, #tpu.memory_space<vmem>> -> memref<1x200x128xf32, #tpu.memory_space<vmem>>
    %dma_wait3A_213 = tpu.memref_squeeze %dma_wait3A_212 : memref<1x200x128xf32, #tpu.memory_space<vmem>> -> memref<200x128xf32, #tpu.memory_space<vmem>>
    %dma_wait3A_214 = arith.constant 0 : i32
    %dma_wait3A_215 = tpu.memref_slice %arg4[%add3A_208, %dma_wait3A_214] : memref<819200x128xf32, #tpu.memory_space<hbm>> -> memref<200x128xf32, #tpu.memory_space<hbm>>
    %dma_wait3A_216 = arith.constant 0 : i32
    %dma_wait3A_217 = tpu.memref_slice %arg4[%add3A_208, %dma_wait3A_216] : memref<819200x128xf32, #tpu.memory_space<hbm>> -> memref<200x128xf32, #tpu.memory_space<hbm>>
    %dma_wait3A_218 = arith.constant 0 : i32
    %dma_wait3A_219 = arith.constant 0 : i32
    %dma_wait3A_220 = tpu.memref_slice %arg9[%dma_wait3A_209, %dma_wait3A_218, %dma_wait3A_219] : memref<4x200x128xf32, #tpu.memory_space<vmem>> -> memref<1x200x128xf32, #tpu.memory_space<vmem>>
    %dma_wait3A_221 = tpu.memref_squeeze %dma_wait3A_220 : memref<1x200x128xf32, #tpu.memory_space<vmem>> -> memref<200x128xf32, #tpu.memory_space<vmem>>
    tpu.wait_dma2 semaphore(%arg21 : memref<!tpu.dma_semaphore, #tpu.memory_space<semaphore_mem>>) src(%dma_wait3A_221 : memref<200x128xf32, #tpu.memory_space<vmem>>) dst(%dma_wait3A_217 : memref<200x128xf32, #tpu.memory_space<hbm>>)
    return
  }
}

</mosaic_0001>

<sc_bundles>
// kernel: kernel.3.cloned.1.call-start
scs
__scs_entry_jumppad:
0x0: {  	(pc) =	sbr.rel $0x88, $3  }
0x1: {  	(tag) =	ssettag $0x0;
	lr =	simm.s32 $0x1  }
0x2: {  	[smem:$0x3F9F] =	sst lr;
	_ =	strace $0xD0000000  }
0x3: {  	_ = 	snop  }
0x4: {  	_ = 	snop  }
0x5: {  	_ = 	snop  }
0x6: {  	_ = 	snop  }
0x7: {  	_ = 	snop  }
__scs_overlays_trampoline_lowered:
0x8: {  	[smem:$0x3FAE] =	sst s0  }
0x9: {  	[smem:$0x3FAF] =	sst s1  }
0xa: {  	[smem:$0x3FB0] =	sst s2  }
0xb: {  	[smem:$0x3FB1] =	sst s3  }
0xc: {  	[smem:$0x3FB2] =	sst s4  }
0xd: {  	[smem:$0x3FB3] =	sst s5  }
0xe: {  	[smem:$0x3FB4] =	sst s6  }
0xf: {  	[smem:$0x3FB5] =	sst s7  }
0x10: {  	[smem:$0x3FB6] =	sst s8  }
0x11: {  	[smem:$0x3FB7] =	sst s9;
	s0 =	simm.s32 @!p0 $0x0  }
0x12: {  	s1 =	sld [smem:$0x3F9D];
	s0 =	simm.s32 @p0 $0x1  }
0x13: {  	[smem:$0x3FB8] =	sst s0;
	s0 =	simm.s32 @!p1 $0x0  }
0x14: {  	s2 =	sld [smem:$0x3F9C];
	s0 =	simm.s32 @p1 $0x1  }
0x15: {  	[smem:$0x3FB9] =	sst s0;
	s0 =	simm.s32 @!p2 $0x0  }
0x16: {  	s3 =	sld [smem:$0x3FDB];
	s0 =	simm.s32 @p2 $0x1  }
0x17: {  	s4 =	simm.s32 $0x1BF5;
	[smem:$0x3FBB] =	sst s0  }
0x18: {  	s0 =	sld [smem:$0x3F9E];
	_ =	swait.ge [sflag:s4], $0x0  }
0x19: {  	s7 =	sld [smem:$0x3F9F]  }
0x1a: {  	s8 =	sadd.s32 $0xFFFFE003, lr  }
0x1b: {  	s9 =	sadd.s32 $0xFFFFFEF7, lr;
	s5 =	simm.s32 $0xFFFFFFFF;
	p2 =	slt.u32 s8, $0xFFFFF086  }
0x1c: {  	p1 =	slt.u32 s9, $0xF7A;
	s5 =	simm.s32 @!p2 $0x0  }
0x1d: {  	s5 =	simm.s32 @p1 $0x1;
	p0 =	seq.s32 s7, s2  }
0x1e: {  	s7 =	smul.u32 @!p0 $0xF7A, s2;
	p2 =	seq.s32 @!p0 s5, $0x0  }
0x1f: {  	s9 =	smul.u32 $0xF7A, s1;
	s8 =	simm.s32 @!p0 $0x1BF5;
	p2 =	por !p2, p0  }
0x20: {  	[sflag:s8] =	ssyncset.s32 @!p0 $0xFFFFF086;
	s6 =	sadd.s32 @!p0 s3, s7;
	s7 =	simm.s32 @!p0 $0x108  }
0x21: {  	s3 =	sadd.s32 s3, s9;
	s6 =	sadd.s32 @!p0 $0x88, s6;
	s7 =	simm.s32 @p2 $0x1082  }
0x22: {  	[simem:s7], [sflag:s8] =	dma.local @!p0 [hbm:s6], $0xF7A  }
0x23: {  	s9 =	sor.u32 $0xD0000000, s2;
	s6 =	simm.s32 $0x108;
	_ =	swait.ge @!p0 [sflag:s8], $0x0  }
0x24: {  	s3 =	sadd.s32 $0x88, s3;
	s6 =	simm.s32 @!p1 $0x1082;
	[sflag:s4] =	ssyncset.s32 $0xFFFFF086  }
0x25: {  	[simem:s6], [sflag:s4] =	dma.local [hbm:s3], $0xF7A  }
0x26: {  	[smem:$0x3F9F] =	sst s1;
	(tag) =	ssettag s2;
	_ =	strace s9  }
0x27: {  	s1 =	sld [smem:$0x3FAF]  }
0x28: {  	s2 =	sld [smem:$0x3FB0]  }
0x29: {  	s4 =	sld [smem:$0x3FB2]  }
0x2a: {  	p0 =	seq.s32 s5, $0x0;
	s5 =	sld [smem:$0x3FB3]  }
0x2b: {  	s6 =	sld [smem:$0x3FB4]  }
0x2c: {  	s7 =	sld [smem:$0x3FB5]  }
0x2d: {  	s3 =	simm.s32 $0x108;
	s8 =	sld [smem:$0x3FB6]  }
0x2e: {  	s3 =	simm.s32 @!p0 $0x1082;
	s9 =	sld [smem:$0x3FB7]  }
0x2f: {  	lr =	sadd.s32 s0, s3;
	s0 =	sld [smem:$0x3FAE]  }
0x30: {  	s3 =	sld [smem:$0x3FB1]  }
0x31: {  	[smem:$0x3FBA] =	sst s10  }
0x32: {  	s10 =	sld [smem:$0x3FB8];
	_ =	sdelay $0x3  }
0x33: {  	p0 =	seq.s32 s10, $0x1;
	s10 =	sld [smem:$0x3FBA];
	_ =	sdelay $0x3  }
0x34: {  	[smem:$0x3FBA] =	sst s10  }
0x35: {  	s10 =	sld [smem:$0x3FB9];
	_ =	sdelay $0x3  }
0x36: {  	p1 =	seq.s32 s10, $0x1;
	s10 =	sld [smem:$0x3FBA];
	_ =	sdelay $0x3  }
0x37: {  	[smem:$0x3FBA] =	sst s10  }
0x38: {  	s10 =	sld [smem:$0x3FBB]  }
0x39: {  	_ = 	snop;
	(pc) =	sbr.ind lr, $3  }
0x3a: {  	_ = 	snop  }
0x3b: {  	_ = 	snop  }
0x3c: {  	p2 =	seq.s32 s10, $0x1;
	s10 =	sld [smem:$0x3FBA]  }
0x3d: {  	_ =	shalt  }
0x3e: {  	_ =	shalt  }
0x3f: {  	_ =	shalt  }
0x40: {  	_ =	shalt  }
0x41: {  	_ =	shalt  }
0x42: {  	_ =	shalt  }
0x43: {  	_ =	shalt  }
0x44: {  	_ =	shalt  }
0x45: {  	_ =	shalt  }
0x46: {  	_ =	shalt  }
0x47: {  	_ =	shalt  }
0x48: {  	_ =	shalt  }
0x49: {  	_ =	shalt  }
0x4a: {  	_ =	shalt  }
0x4b: {  	_ =	shalt  }
0x4c: {  	_ =	shalt  }
0x4d: {  	_ =	shalt  }
0x4e: {  	_ =	shalt  }
0x4f: {  	_ =	shalt  }
0x50: {  	_ =	shalt  }
0x51: {  	_ =	shalt  }
0x52: {  	_ =	shalt  }
0x53: {  	_ =	shalt  }
0x54: {  	_ =	shalt  }
0x55: {  	_ =	shalt  }
0x56: {  	_ =	shalt  }
0x57: {  	_ =	shalt  }
0x58: {  	_ =	shalt  }
0x59: {  	_ =	shalt  }
0x5a: {  	_ =	shalt  }
0x5b: {  	_ =	shalt  }
0x5c: {  	_ =	shalt  }
0x5d: {  	_ =	shalt  }
0x5e: {  	_ =	shalt  }
0x5f: {  	_ =	shalt  }
0x60: {  	_ =	shalt  }
0x61: {  	_ =	shalt  }
0x62: {  	_ =	shalt  }
0x63: {  	_ =	shalt  }
0x64: {  	_ =	shalt  }
0x65: {  	_ =	shalt  }
0x66: {  	_ =	shalt  }
0x67: {  	_ =	shalt  }
0x68: {  	_ =	shalt  }
0x69: {  	_ =	shalt  }
0x6a: {  	_ =	shalt  }
0x6b: {  	_ =	shalt  }
0x6c: {  	_ =	shalt  }
0x6d: {  	_ =	shalt  }
0x6e: {  	_ =	shalt  }
0x6f: {  	_ =	shalt  }
0x70: {  	_ =	shalt  }
0x71: {  	_ =	shalt  }
0x72: {  	_ =	shalt  }
0x73: {  	_ =	shalt  }
0x74: {  	_ =	shalt  }
0x75: {  	_ =	shalt  }
0x76: {  	_ =	shalt  }
0x77: {  	_ =	shalt  }
0x78: {  	_ =	shalt  }
0x79: {  	_ =	shalt  }
0x7a: {  	_ =	shalt  }
0x7b: {  	_ =	shalt  }
0x7c: {  	_ =	shalt  }
0x7d: {  	_ =	shalt  }
0x7e: {  	_ =	shalt  }
0x7f: {  	_ =	shalt  }
0x80: {  	_ =	shalt  }
0x81: {  	_ =	shalt  }
0x82: {  	_ =	shalt  }
0x83: {  	_ =	shalt  }
0x84: {  	_ =	shalt  }
0x85: {  	_ =	shalt  }
0x86: {  	_ =	shalt  }
0x87: {  	_ =	shalt  }
.Lfunc_end0:
.L_simem_size_0:
called_computation.1_lowered:
.L_overlay_start_0:
0x88: {  	s2 =	sld [smem:$0x3FD9]  }
0x89: {  	s3 =	sld [smem:$0x3FFE];
	_ =	sdelay $0x1  }
0x8a: {  	s1 =	srdreg.scid  }
0x8b: {  	s0 =	sand.u32 $0x1, s1  }
0x8c: {  	s17 =	sshll.u32 s0, $0xA;
	s2 =	sadd.s32 s3, s2  }
0x8d: {  	s2 =	sadd.s32 s2, s17  }
0x8e: {  	[smem:$0x3FC6] =	sst s2  }
0x8f: {  	_ = 	snop  }
0x90: {  	s2 =	sld [smem:$0x3FD0];
	(tm) =	ssettm $0x1  }
0x91: {  	s18 =	sld [smem:$0x3FFB];
	_ =	sdelay $0x3  }
0x92: {  	_ =	strace s18  }
0x93: {  	s3 =	sld [smem:$0x3FFC];
	_ =	sdelay $0x3  }
0x94: {  	_ =	strace s3  }
0x95: {  	s3 =	sld [smem:$0x3FFD];
	_ =	sdelay $0x3  }
0x96: {  	_ =	strace s3  }
0x97: {  	_ =	strace $0x8FFFFFFF  }
0x98: {  	s19 =	sld [smem:$0x3FDB];
	_ =	sdelay $0x1  }
0x99: {  	s4 =	simm.s32 $_scs_section_size  }
0x9a: {  	s5 =	simm.s32 $_size__tile_overlayer_lowered;
	s6 =	simm.s32 $_tile_overlayer_lowered  }
0x9b: {  	s22 =	simm.s32 $0x1BFF;
	s21 =	sshll.u32 s6, $0x1;
	s3 =	sadd.s32 s4, s19  }
0x9c: {  	s7 =	simm.s32 $0x0;
	s20 =	sshll.u32 s5, $0x1;
	s5 =	sadd.s32 s21, s3  }
0x9d: {  	[timem:s7], [sflag:s22] =	dma.local [hbm:s5], s20  }
0x9e: {  	_ =	swait.ge [sflag:s22], s20  }
0x9f: {  	s4 =	ssub.s32 $0x0, s20;
	[sflag:s22] =	ssyncset.done $0x0  }
0xa0: {  	[sflag:s22] =	ssyncadd.s32 s4;
	_ =	sdelay $0x1  }
0xa1: {  	s23 =	simm.s32 $0x1B8B  }
0xa2: {  	_ =	swait.ge [sflag:s23], $0x1  }
0xa3: {  	[sflag:s23] =	ssyncset.done $0x0  }
0xa4: {  	s25 =	simm.s32 $0x1B8E;
	s24 =	sld [smem:$0x3FFE];
	[sflag:s23] =	ssyncadd.s32 $0xFFFFFFFF  }
0xa5: {  	s26 =	simm.s32 $execute0_lowered;
	[smem:$0x3FD2] =	sst s25  }
0xa6: {  	s5 =	sshll.u32 s26, $0x1;
	_ =	strace $0x80000046;
	[dreg:$0x1] =	wrdreg $0xFFFFFFFF  }
0xa7: {  	s28 =	simm.s32 $_size_execute0_lowered;
	s3 =	sadd.s32 s3, s5;
	[dreg:$0x0] =	wrdreg $0x0  }
0xa8: {  	s5 =	sshll.u32 s28, $0x1;
	[dreg:$0x2] =	wrdreg s3  }
0xa9: {  	[dreg:$0x3] =	wrdreg s5  }
0xaa: {  	[dreg:$0x4] =	wrdreg $0xC0  }
0xab: {  	_ =	task [dreg:s7], $0x5FFFF  }
0xac: {  	[dreg:$0x1] =	wrdreg $0xFFFFFFFF  }
0xad: {  	[dreg:$0x0] =	wrdreg $0x60  }
0xae: {  	[dreg:$0x2] =	wrdreg s2  }
0xaf: {  	[dreg:$0x3] =	wrdreg s24  }
0xb0: {  	[dreg:$0x4] =	wrdreg $0x9  }
0xb1: {  	_ =	task.clear_ibuf [dreg:s7], $0x5FFFF;
	_ =	strace $0x90000046  }
0xb2: {  	s29 =	simm.s32 $0x9;
	_ =	strace $0x80000048  }
0xb3: {  	_ =	swait.ge [sflag:s29], $0x1  }
0xb4: {  	[sflag:s29] =	ssyncadd.s32 $0xFFFFFFFF  }
0xb5: {  	_ =	strace $0x90000048  }
0xb6: {  	_ =	sfence  }
0xb7: {  	s30 =	sld [smem:$0x0];
	_ =	sdelay $0x2  }
0xb8: {  	s31 =	sshll.u32 s1, $0xD;
	s1 =	sshrl.u32 s1, $0x2  }
0xb9: {  	s3 =	sand.u32 $0x4000, s31;
	s1 =	sadd.s32 s1, s30  }
0xba: {  	s0 =	sor.u32 s3, s0;
	s1 =	sshll.u32 s1, $0x11  }
0xbb: {  	s0 =	sor.u32 s1, s0  }
0xbc: {  	s0 =	sadd.s32 $0x8F2B, s0  }
0xbd: {  	[sflag:s0] =	ssyncadd.remote.s32 $0x1  }
0xbe: {  	_ =	sfence.sel $0xFFFF  }
0xbf: {  	[dreg:$0x0] =	wrdreg $0xFFFFFFFF;
	(pc) =	sbr.abs _section_cstart, $3  }
0xc0: {  	[dreg:$0x1] =	wrdreg $0xFFFFFFFF  }
0xc1: {  	_ =	task.clear_ibuf [dreg:s7], $0x2FFFF;
	_ =	strace $0x9FFFFFFF  }
0xc2: {  	(tm) =	ssettm $0x7FFFFFFF  }
0xc3: {  	_ =	shalt  }
tec
execute0_lowered:
.L_overlay_start_1:
0x0: {  	(tag) =	ssettag $0x1  }
0x1: {  	s0 =	rddreg [dreg:$0x0]  }
0x2: {  	s1 =	rddreg [dreg:$0x1]  }
0x3: {  	s3 =	srdreg.scid;
	s11 =	stileid.u32;
	s2 =	simm.s32 $0x0  }
0x4: {  	s28 =	simm.s32 $0x9;
	s29 =	simm.s32 $0x6;
	s30 =	simm.s32 $0xA  }
0x5: {  	s31 =	simm.s32 $0x7;
	s5 =	sand.u32 $0x1, s3;
	s15 =	smul.u32 $0xC800, s11  }
0x6: {  	s13 =	sshll.u32 s11, $0x1;
	[smem:$0x7FF] =	sst s2;
	s12 =	smul.u32 $0xC8000, s11  }
0x7: {  	s3 =	sadd.s32 $0xF42E00, s1;
	s4 =	sor.u32 s5, s13;
	s10 =	smul.u32 $0x6400, s5  }
0x8: {  	s1 =	sadd.s32 $0xA00, s1;
	s8 =	ssub.s32 $0x2, s5;
	s6 =	smul.u32 $0x6400, s4  }
0x9: {  	_ =	strace $0x80000047;
	s7 =	smul.u32 $0x320000, s4;
	s9 =	sshrl.u32 s8, $0x1  }
0xa: {  	s5 =	smul.u32 $0x64000, s5;
	s8 =	ssub.s32 s8, s9;
	s14 =	sshrl.u32 s6, $0x3  }
0xb: {  	s7 =	sshrl.u32 s7, $0x3;
	s6 =	sadd.s32 s10, s15;
	s15 =	simm.s32 $0x200  }
0xc: {  	s4 =	sadd.s32 s0, s14;
	s7 =	sadd.s32 s1, s7;
	s20 =	sadd.s32 $0x578, s6  }
0xd: {  	s1 =	sadd.s32 s12, s1;
	s24 =	sadd.s32 $0x4B0, s6;
	s25 =	sor.u32 $0x3E8, s6  }
0xe: {  	s6 =	sor.u32 $0x320, s6;
	s12 =	smax.u32 s8, $0x1;
	s14 =	simm.s32 $0x100  }
0xf: {  	s16 =	sadd.s32 $0x19, s4;
	s17 =	sadd.s32 $0x32, s4;
	s18 =	sadd.s32 $0x4B, s4  }
0x10: {  	s19 =	sadd.s32 $0x60E00, s7;
	s21 =	sadd.s32 $0x61A80, s7;
	[dreg:$0x7] =	wrdreg s16  }
0x11: {  	s9 =	sshrl.u32 s20, $0x3;
	s22 =	sadd.s32 $0x62700, s7;
	[dreg:$0x8] =	wrdreg s17  }
0x12: {  	s11 =	sadd.s32 $0x63380, s7;
	s7 =	sshrl.u32 s24, $0x3;
	[dreg:$0x9] =	wrdreg s18  }
0x13: {  	s6 =	sshrl.u32 s6, $0x3;
	s1 =	sadd.s32 s5, s1;
	[dreg:$0xa] =	wrdreg s19  }
0x14: {  	s20 =	simm.s32 $0x2;
	s24 =	simm.s32 $0x4;
	[dreg:$0xb] =	wrdreg s21  }
0x15: {  	s5 =	simm.s32 $0xC;
	[dreg:$0xc] =	wrdreg s22;
	s23 =	sadd.s32 s9, s0  }
0x16: {  	s7 =	sadd.s32 s7, s0;
	s9 =	sshrl.u32 s25, $0x3;
	s13 =	sadd.s32 $0x2580, s1  }
0x17: {  	s16 =	simm.s32 $0x300;
	s17 =	simm.s32 $0x1;
	s18 =	simm.s32 $0xC8  }
0x18: {  	s19 =	simm.s32 $0x400;
	s21 =	simm.s32 $0x6800;
	s22 =	simm.s32 $0x3  }
0x19: {  	s25 =	simm.s32 $0x13000;
	s1 =	simm.s32 $0x8;
	[dreg:$0x3] =	wrdreg s23  }
0x1a: {  	[dreg:$0x4] =	wrdreg s7;
	s26 =	sadd.s32 s9, s0;
	s0 =	sadd.s32 s6, s0  }
0x1b: {  	s23 =	simm.s32 $0xCC00;
	s6 =	simm.s32 $0x0;
	[dreg:$0x5] =	wrdreg s26  }
0x1c: {  	[dreg:$0x6] =	wrdreg s0;
	s26 =	simm.s32 $0x5;
	s0 =	simm.s32 $0xB  }
.LBB2_1:
0x1d: {  	[tilespmem:s2], [sflag:$0x1] =	stream.linear.gather [hbm4b:s4+s2], $0xC8, $0x38;
	[tilespmem:$0x19400] =	vst v63  }
0x1e: {  	s7 =	rddreg [dreg:$0x7]  }
0x1f: {  	[tilespmem:s14], [sflag:$0x2] =	stream.linear.gather [hbm4b:s7+s2], $0xC8, $0x38;
	[tilespmem:$0x19400] =	vst v63  }
0x20: {  	s8 =	rddreg [dreg:$0x8]  }
0x21: {  	[tilespmem:s15], [sflag:$0x3] =	stream.linear.gather [hbm4b:s8+s2], $0xC8, $0x38;
	[tilespmem:$0x19400] =	vst v63  }
0x22: {  	s9 =	rddreg [dreg:$0x9]  }
0x23: {  	[tilespmem:s16], [sflag:$0x4] =	stream.linear.gather [hbm4b:s9+s2], $0xC8, $0x38;
	[tilespmem:$0x19400] =	vst v63  }
0x24: {  	_ =	swait.ge [sflag:s17], $0xC8  }
0x25: {  	[sflag:s17] =	ssyncset.done $0x0  }
0x26: {  	[sflag:s17] =	ssyncadd.s32 $0xFFFFFF38  }
0x27: {  	[tilespmem:s19], [sflag:$0x5] =	stream.indirect.gather [hbm4b:s3+s18], $0x80, s2, s18, $0xb8;
	[tilespmem:$0x19400] =	vst v63  }
0x28: {  	_ =	swait.ge [sflag:s20], $0xC8  }
0x29: {  	[sflag:s20] =	ssyncset.done $0x0  }
0x2a: {  	[sflag:s20] =	ssyncadd.s32 $0xFFFFFF38  }
0x2b: {  	[tilespmem:s21], [sflag:$0x6] =	stream.indirect.gather [hbm4b:s3+s18], $0x80, s14, s18, $0xb8;
	[tilespmem:$0x19400] =	vst v63  }
0x2c: {  	_ =	swait.ge [sflag:s22], $0xC8  }
0x2d: {  	[sflag:s22] =	ssyncset.done $0x0  }
0x2e: {  	[sflag:s22] =	ssyncadd.s32 $0xFFFFFF38  }
0x2f: {  	[tilespmem:s23], [sflag:$0x7] =	stream.indirect.gather [hbm4b:s3+s18], $0x80, s15, s18, $0xb8;
	[tilespmem:$0x19400] =	vst v63  }
0x30: {  	_ =	swait.ge [sflag:s24], $0xC8  }
0x31: {  	[sflag:s24] =	ssyncset.done $0x0  }
0x32: {  	[sflag:s24] =	ssyncadd.s32 $0xFFFFFF38  }
0x33: {  	[tilespmem:s25], [sflag:$0x8] =	stream.indirect.gather [hbm4b:s3+s18], $0x80, s16, s18, $0xb8;
	[tilespmem:$0x19400] =	vst v63  }
0x34: {  	_ =	swait.ge [sflag:s26], $0x6400  }
0x35: {  	[sflag:s26] =	ssyncset.done $0x0  }
0x36: {  	s10 =	sadd.s32 $0xFFFFDA80, s13;
	[sflag:s26] =	ssyncadd.s32 $0xFFFF9C00  }
0x37: {  	[hbm4b:s10+s2] =	stream.linear.scatter [tilespmem:s19], [sflag:$0x9], $0x6400, $0x38;
	[tilespmem:$0x19400] =	vst v63  }
0x38: {  	_ =	swait.ge [sflag:s28], $0x6400  }
0x39: {  	s8 =	rddreg [dreg:$0x6];
	[sflag:s28] =	ssyncset.done $0x0  }
0x3a: {  	[sflag:s28] =	ssyncadd.s32 $0xFFFF9C00;
	s7 =	sadd.s32 $0x0, s8  }
0x3b: {  	[tilespmem:s2], [sflag:$0x1] =	stream.linear.gather [hbm4b:s7+s2], $0xC8, $0x38;
	[tilespmem:$0x19400] =	vst v63  }
0x3c: {  	_ =	swait.ge [sflag:s17], $0xC8  }
0x3d: {  	[sflag:s17] =	ssyncset.done $0x0  }
0x3e: {  	[sflag:s17] =	ssyncadd.s32 $0xFFFFFF38  }
0x3f: {  	[tilespmem:s19], [sflag:$0x5] =	stream.indirect.gather [hbm4b:s3+s18], $0x80, s2, s18, $0xb8;
	[tilespmem:$0x19400] =	vst v63  }
0x40: {  	_ =	swait.ge [sflag:s29], $0x6400  }
0x41: {  	[sflag:s29] =	ssyncset.done $0x0  }
0x42: {  	s9 =	sadd.s32 $0xFFFFE700, s13;
	[sflag:s29] =	ssyncadd.s32 $0xFFFF9C00  }
0x43: {  	[hbm4b:s9+s2] =	stream.linear.scatter [tilespmem:s21], [sflag:$0xA], $0x6400, $0x38;
	[tilespmem:$0x19400] =	vst v63  }
0x44: {  	_ =	swait.ge [sflag:s30], $0x6400  }
0x45: {  	s10 =	rddreg [dreg:$0x5];
	[sflag:s30] =	ssyncset.done $0x0  }
0x46: {  	[sflag:s30] =	ssyncadd.s32 $0xFFFF9C00;
	s7 =	sadd.s32 $0x0, s10  }
0x47: {  	[tilespmem:s14], [sflag:$0x2] =	stream.linear.gather [hbm4b:s7+s2], $0xC8, $0x38;
	[tilespmem:$0x19400] =	vst v63  }
0x48: {  	_ =	swait.ge [sflag:s20], $0xC8  }
0x49: {  	[sflag:s20] =	ssyncset.done $0x0  }
0x4a: {  	[sflag:s20] =	ssyncadd.s32 $0xFFFFFF38  }
0x4b: {  	[tilespmem:s21], [sflag:$0x6] =	stream.indirect.gather [hbm4b:s3+s18], $0x80, s14, s18, $0xb8;
	[tilespmem:$0x19400] =	vst v63  }
0x4c: {  	_ =	swait.ge [sflag:s31], $0x6400  }
0x4d: {  	[sflag:s31] =	ssyncset.done $0x0  }
0x4e: {  	s8 =	sadd.s32 $0xFFFFF380, s13;
	[sflag:s31] =	ssyncadd.s32 $0xFFFF9C00  }
0x4f: {  	[hbm4b:s8+s2] =	stream.linear.scatter [tilespmem:s23], [sflag:$0xB], $0x6400, $0x38;
	[tilespmem:$0x19400] =	vst v63  }
0x50: {  	_ =	swait.ge [sflag:s0], $0x6400  }
0x51: {  	s9 =	rddreg [dreg:$0x4];
	[sflag:s0] =	ssyncset.done $0x0  }
0x52: {  	[sflag:s0] =	ssyncadd.s32 $0xFFFF9C00;
	s7 =	sadd.s32 $0x0, s9  }
0x53: {  	[tilespmem:s15], [sflag:$0x3] =	stream.linear.gather [hbm4b:s7+s2], $0xC8, $0x38;
	[tilespmem:$0x19400] =	vst v63  }
0x54: {  	_ =	swait.ge [sflag:s22], $0xC8  }
0x55: {  	[sflag:s22] =	ssyncset.done $0x0  }
0x56: {  	[sflag:s22] =	ssyncadd.s32 $0xFFFFFF38  }
0x57: {  	[tilespmem:s23], [sflag:$0x7] =	stream.indirect.gather [hbm4b:s3+s18], $0x80, s15, s18, $0xb8;
	[tilespmem:$0x19400] =	vst v63  }
0x58: {  	_ =	swait.ge [sflag:s1], $0x6400  }
0x59: {  	[sflag:s1] =	ssyncset.done $0x0  }
0x5a: {  	[sflag:s1] =	ssyncadd.s32 $0xFFFF9C00  }
0x5b: {  	[hbm4b:s13+s2] =	stream.linear.scatter [tilespmem:s25], [sflag:$0xC], $0x6400, $0x38;
	[tilespmem:$0x19400] =	vst v63  }
0x5c: {  	_ =	swait.ge [sflag:s5], $0x6400  }
0x5d: {  	s10 =	rddreg [dreg:$0x3];
	[sflag:s5] =	ssyncset.done $0x0  }
0x5e: {  	[sflag:s5] =	ssyncadd.s32 $0xFFFF9C00;
	s7 =	sadd.s32 $0x0, s10  }
0x5f: {  	[tilespmem:s16], [sflag:$0x4] =	stream.linear.gather [hbm4b:s7+s2], $0xC8, $0x38;
	[tilespmem:$0x19400] =	vst v63  }
0x60: {  	_ =	swait.ge [sflag:s24], $0xC8  }
0x61: {  	[sflag:s24] =	ssyncset.done $0x0  }
0x62: {  	s8 =	sadd.s32 $0x3200, s13;
	s7 =	simm.s32 $0x64;
	[sflag:s24] =	ssyncadd.s32 $0xFFFFFF38  }
.LBB2_2:
0x63: {  	[tilespmem:s25], [sflag:$0x8] =	stream.indirect.gather [hbm4b:s3+s18], $0x80, s16, s18, $0xb8;
	[tilespmem:$0x19400] =	vst v63  }
0x64: {  	_ =	swait.ge [sflag:s26], $0x6400  }
0x65: {  	[sflag:s26] =	ssyncset.done $0x0  }
0x66: {  	s10 =	sadd.s32 $0xFFFFDA80, s8;
	[sflag:s26] =	ssyncadd.s32 $0xFFFF9C00  }
0x67: {  	[hbm4b:s10+s2] =	stream.linear.scatter [tilespmem:s19], [sflag:$0x9], $0x6400, $0x38;
	[tilespmem:$0x19400] =	vst v63  }
0x68: {  	_ =	swait.ge [sflag:s28], $0x6400  }
0x69: {  	s9 =	smov.u32 s7;
	s10 =	rddreg [dreg:$0x6];
	[sflag:s28] =	ssyncset.done $0x0  }
0x6a: {  	[sflag:s28] =	ssyncadd.s32 $0xFFFF9C00;
	s10 =	sadd.s32 s9, s10  }
0x6b: {  	[tilespmem:s2], [sflag:$0x1] =	stream.linear.gather [hbm4b:s10+s2], $0xC8, $0x38;
	[tilespmem:$0x19400] =	vst v63  }
0x6c: {  	_ =	swait.ge [sflag:s17], $0xC8  }
0x6d: {  	[sflag:s17] =	ssyncset.done $0x0  }
0x6e: {  	[sflag:s17] =	ssyncadd.s32 $0xFFFFFF38  }
0x6f: {  	[tilespmem:s19], [sflag:$0x5] =	stream.indirect.gather [hbm4b:s3+s18], $0x80, s2, s18, $0xb8;
	[tilespmem:$0x19400] =	vst v63  }
0x70: {  	_ =	swait.ge [sflag:s29], $0x6400  }
0x71: {  	[sflag:s29] =	ssyncset.done $0x0  }
0x72: {  	s10 =	sadd.s32 $0xFFFFE700, s8;
	[sflag:s29] =	ssyncadd.s32 $0xFFFF9C00  }
0x73: {  	[hbm4b:s10+s2] =	stream.linear.scatter [tilespmem:s21], [sflag:$0xA], $0x6400, $0x38;
	[tilespmem:$0x19400] =	vst v63  }
0x74: {  	_ =	swait.ge [sflag:s30], $0x6400  }
0x75: {  	s10 =	rddreg [dreg:$0x5];
	[sflag:s30] =	ssyncset.done $0x0  }
0x76: {  	[sflag:s30] =	ssyncadd.s32 $0xFFFF9C00;
	s10 =	sadd.s32 s9, s10  }
0x77: {  	[tilespmem:s14], [sflag:$0x2] =	stream.linear.gather [hbm4b:s10+s2], $0xC8, $0x38;
	[tilespmem:$0x19400] =	vst v63  }
0x78: {  	_ =	swait.ge [sflag:s20], $0xC8  }
0x79: {  	[sflag:s20] =	ssyncset.done $0x0  }
0x7a: {  	[sflag:s20] =	ssyncadd.s32 $0xFFFFFF38  }
0x7b: {  	[tilespmem:s21], [sflag:$0x6] =	stream.indirect.gather [hbm4b:s3+s18], $0x80, s14, s18, $0xb8;
	[tilespmem:$0x19400] =	vst v63  }
0x7c: {  	_ =	swait.ge [sflag:s31], $0x6400  }
0x7d: {  	[sflag:s31] =	ssyncset.done $0x0  }
0x7e: {  	s10 =	sadd.s32 $0xFFFFF380, s8;
	[sflag:s31] =	ssyncadd.s32 $0xFFFF9C00  }
0x7f: {  	[hbm4b:s10+s2] =	stream.linear.scatter [tilespmem:s23], [sflag:$0xB], $0x6400, $0x38;
	[tilespmem:$0x19400] =	vst v63  }
0x80: {  	_ =	swait.ge [sflag:s0], $0x6400  }
0x81: {  	s10 =	rddreg [dreg:$0x4];
	[sflag:s0] =	ssyncset.done $0x0  }
0x82: {  	[sflag:s0] =	ssyncadd.s32 $0xFFFF9C00;
	s10 =	sadd.s32 s9, s10  }
0x83: {  	[tilespmem:s15], [sflag:$0x3] =	stream.linear.gather [hbm4b:s10+s2], $0xC8, $0x38;
	[tilespmem:$0x19400] =	vst v63  }
0x84: {  	_ =	swait.ge [sflag:s22], $0xC8  }
0x85: {  	[sflag:s22] =	ssyncset.done $0x0  }
0x86: {  	[sflag:s22] =	ssyncadd.s32 $0xFFFFFF38  }
0x87: {  	[tilespmem:s23], [sflag:$0x7] =	stream.indirect.gather [hbm4b:s3+s18], $0x80, s15, s18, $0xb8;
	[tilespmem:$0x19400] =	vst v63  }
0x88: {  	_ =	swait.ge [sflag:s1], $0x6400  }
0x89: {  	[sflag:s1] =	ssyncset.done $0x0  }
0x8a: {  	[sflag:s1] =	ssyncadd.s32 $0xFFFF9C00  }
0x8b: {  	[hbm4b:s8+s2] =	stream.linear.scatter [tilespmem:s25], [sflag:$0xC], $0x6400, $0x38;
	[tilespmem:$0x19400] =	vst v63  }
0x8c: {  	_ =	swait.ge [sflag:s5], $0x6400  }
0x8d: {  	p0 =	sne.s32 s7, $0xBB8;
	s10 =	rddreg [dreg:$0x3];
	[sflag:s5] =	ssyncset.done $0x0  }
.Ltmp0:
0x8e: {  	[sflag:s5] =	ssyncadd.s32 $0xFFFF9C00;
	s9 =	sadd.s32 s9, s10;
	(pc) =	sbr.rel @p0 .LBB2_2-.Ltmp0, $4  }
0x8f: {  	[tilespmem:s16], [sflag:$0x4] =	stream.linear.gather [hbm4b:s9+s2], $0xC8, $0x38;
	[tilespmem:$0x19400] =	vst v63  }
0x90: {  	_ =	swait.ge [sflag:s24], $0xC8  }
0x91: {  	[sflag:s24] =	ssyncset.done $0x0  }
0x92: {  	s7 =	sadd.s32 $0x64, s7;
	s8 =	sadd.s32 $0x3200, s8;
	[sflag:s24] =	ssyncadd.s32 $0xFFFFFF38  }
0x93: {  	[tilespmem:s25], [sflag:$0x8] =	stream.indirect.gather [hbm4b:s3+s18], $0x80, s16, s18, $0xb8;
	[tilespmem:$0x19400] =	vst v63  }
0x94: {  	_ =	swait.ge [sflag:s26], $0x6400  }
0x95: {  	[sflag:s26] =	ssyncset.done $0x0  }
0x96: {  	s7 =	rddreg [dreg:$0xa];
	[sflag:s26] =	ssyncadd.s32 $0xFFFF9C00  }
0x97: {  	[hbm4b:s7+s2] =	stream.linear.scatter [tilespmem:s19], [sflag:$0x9], $0x6400, $0x38;
	[tilespmem:$0x19400] =	vst v63  }
0x98: {  	_ =	swait.ge [sflag:s29], $0x6400  }
0x99: {  	[sflag:s29] =	ssyncset.done $0x0  }
0x9a: {  	s9 =	rddreg [dreg:$0xb];
	[sflag:s29] =	ssyncadd.s32 $0xFFFF9C00  }
0x9b: {  	[hbm4b:s9+s2] =	stream.linear.scatter [tilespmem:s21], [sflag:$0xA], $0x6400, $0x38;
	[tilespmem:$0x19400] =	vst v63  }
0x9c: {  	_ =	swait.ge [sflag:s31], $0x6400  }
0x9d: {  	[sflag:s31] =	ssyncset.done $0x0  }
0x9e: {  	s10 =	rddreg [dreg:$0xc];
	[sflag:s31] =	ssyncadd.s32 $0xFFFF9C00  }
0x9f: {  	[hbm4b:s10+s2] =	stream.linear.scatter [tilespmem:s23], [sflag:$0xB], $0x6400, $0x38;
	[tilespmem:$0x19400] =	vst v63  }
0xa0: {  	_ =	swait.ge [sflag:s1], $0x6400  }
0xa1: {  	[sflag:s1] =	ssyncset.done $0x0  }
0xa2: {  	[sflag:s1] =	ssyncadd.s32 $0xFFFF9C00  }
0xa3: {  	[hbm4b:s11+s2] =	stream.linear.scatter [tilespmem:s25], [sflag:$0xC], $0x6400, $0x38;
	[tilespmem:$0x19400] =	vst v63  }
0xa4: {  	_ =	swait.ge [sflag:s28], $0x6400  }
0xa5: {  	[sflag:s28] =	ssyncset.done $0x0  }
0xa6: {  	[sflag:s28] =	ssyncadd.s32 $0xFFFF9C00  }
0xa7: {  	_ =	swait.ge [sflag:s30], $0x6400  }
0xa8: {  	[sflag:s30] =	ssyncset.done $0x0  }
0xa9: {  	s6 =	sadd.s32 $0x1, s6;
	[sflag:s30] =	ssyncadd.s32 $0xFFFF9C00  }
0xaa: {  	p0 =	sne.s32 s6, s12;
	_ =	swait.ge [sflag:s0], $0x6400  }
.Ltmp1:
0xab: {  	[sflag:s0] =	ssyncset.done $0x0;
	(pc) =	sbr.rel @p0 .LBB2_1-.Ltmp1, $4  }
0xac: {  	[sflag:s0] =	ssyncadd.s32 $0xFFFF9C00  }
0xad: {  	_ =	swait.ge [sflag:s5], $0x6400  }
0xae: {  	[sflag:s5] =	ssyncset.done $0x0  }
0xaf: {  	[sflag:s5] =	ssyncadd.s32 $0xFFFF9C00  }
0xb0: {  	_ =	sfence.sel $0x180000  }
0xb1: {  	[bflag:$0x0] =	sbarrier.arrive $0xFFFF  }
0xb2: {  	_ =	strace $0x90000047  }
0xb3: {  	s0 =	stileid.u32;
	[bflag:$0x2] =	sbarrier.arrive $0xFFFF  }
0xb4: {  	p0 =	sne.s32 s0, $0x0;
	s0 =	rddreg [dreg:$0x2]  }
0xb5: {  	s0 =	sadd.s32 @!p0 $0x100000, s0  }
0xb6: {  	[sflag:s0] =	ssyncadd.tile.s32 @!p0 $0x1;
	_ =	shalt  }
.Lfunc_end2:
_tile_overlayer_lowered:
.L_overlay_start_2:
0xb7: {  	(tag) =	ssettag $0x2  }
0xb8: {  	s0 =	rddreg [dreg:$0x0];
	s2 =	stileid.u32  }
0xb9: {  	s1 =	rddreg [dreg:$0x1];
	p0 =	sne.s32 s2, $0x0  }
0xba: {  	s3 =	rddreg [dreg:$0x2];
	[bflag:$0x3] =	sbarrier.arrive $0xFFFF;
	s2 =	simm.s32 @!p0 $0x1C0D  }
0xbb: {  	[timem:s3], [sflag:s2] =	dma.local @!p0 [hbm:s0], s1  }
0xbc: {  	s0 =	simm.s32 @!p0 $0xD  }
0xbd: {  	_ =	swait.ge @!p0 [sflag:s0], s1  }
0xbe: {  	s1 =	ssub.s32 @!p0 $0x0, s1;
	[sflag:s0] =	ssyncset.done @!p0 $0x0  }
0xbf: {  	[sflag:s0] =	ssyncadd.s32 @!p0 s1  }
0xc0: {  	[bflag:$0x3] =	sbarrier.arrive $0xFFFF  }
0xc1: {  	_ =	shalt  }

// kernel: sparse-core-data-format-call.cloned.1.call-start
scs
called_computation_lowered:
.L_overlay_start_0:
0x0: {  	s2 =	sld [smem:$0x3FD9]  }
0x1: {  	s3 =	sld [smem:$0x3FFE];
	_ =	sdelay $0x1  }
0x2: {  	s1 =	srdreg.scid  }
0x3: {  	s0 =	sand.u32 $0x1, s1  }
0x4: {  	s18 =	sshll.u32 s0, $0xA;
	s2 =	sadd.s32 s3, s2  }
0x5: {  	s2 =	sadd.s32 s2, s18  }
0x6: {  	[smem:$0x3FC6] =	sst s2  }
0x7: {  	_ = 	snop  }
0x8: {  	s2 =	sld [smem:$0x3FD0];
	(tm) =	ssettm $0x1  }
0x9: {  	s19 =	sld [smem:$0x3FFB];
	_ =	sdelay $0x3  }
0xa: {  	_ =	strace s19  }
0xb: {  	s3 =	sld [smem:$0x3FFC];
	_ =	sdelay $0x3  }
0xc: {  	_ =	strace s3  }
0xd: {  	s3 =	sld [smem:$0x3FFD];
	_ =	sdelay $0x3  }
0xe: {  	_ =	strace s3  }
0xf: {  	_ =	strace $0x8FFFFFFF  }
0x10: {  	s20 =	sld [smem:$0x3FDB];
	_ =	sdelay $0x1  }
0x11: {  	s4 =	simm.s32 $_scs_section_size  }
0x12: {  	s5 =	simm.s32 $_size__tile_overlayer_lowered;
	s6 =	simm.s32 $_tile_overlayer_lowered  }
0x13: {  	s23 =	simm.s32 $0x1BFF;
	s22 =	sshll.u32 s6, $0x1;
	s3 =	sadd.s32 s4, s20  }
0x14: {  	s7 =	simm.s32 $0x0;
	s21 =	sshll.u32 s5, $0x1;
	s5 =	sadd.s32 s22, s3  }
0x15: {  	[timem:s7], [sflag:s23] =	dma.local [hbm:s5], s21  }
0x16: {  	_ =	swait.ge [sflag:s23], s21  }
0x17: {  	s4 =	ssub.s32 $0x0, s21;
	[sflag:s23] =	ssyncset.done $0x0  }
0x18: {  	[sflag:s23] =	ssyncadd.s32 s4;
	_ =	sdelay $0x1  }
0x19: {  	s24 =	simm.s32 $0x1B8B  }
0x1a: {  	_ =	swait.ge [sflag:s24], $0x1  }
0x1b: {  	[sflag:s24] =	ssyncset.done $0x0  }
0x1c: {  	s26 =	simm.s32 $0x1B8E;
	s25 =	sld [smem:$0x3FFE];
	[sflag:s24] =	ssyncadd.s32 $0xFFFFFFFF  }
0x1d: {  	s27 =	simm.s32 $execute0_lowered;
	[smem:$0x3FD2] =	sst s26  }
0x1e: {  	s5 =	sshll.u32 s27, $0x1;
	_ =	strace $0x80000049;
	[dreg:$0x1] =	wrdreg $0xFFFFFFFF  }
0x1f: {  	s28 =	simm.s32 $_size_execute0_lowered;
	s3 =	sadd.s32 s3, s5;
	[dreg:$0x0] =	wrdreg $0x0  }
0x20: {  	s5 =	sshll.u32 s28, $0x1;
	[dreg:$0x2] =	wrdreg s3  }
0x21: {  	[dreg:$0x3] =	wrdreg s5  }
0x22: {  	[dreg:$0x4] =	wrdreg $0xC0  }
0x23: {  	_ =	task [dreg:s7], $0x5FFFF  }
0x24: {  	[dreg:$0x1] =	wrdreg $0xFFFFFFFF  }
0x25: {  	[dreg:$0x0] =	wrdreg $0x60  }
0x26: {  	[dreg:$0x2] =	wrdreg s25  }
0x27: {  	[dreg:$0x3] =	wrdreg s2  }
0x28: {  	[dreg:$0x4] =	wrdreg $0x9  }
0x29: {  	_ =	task.clear_ibuf [dreg:s7], $0x5FFFF;
	_ =	strace $0x90000049  }
0x2a: {  	s29 =	simm.s32 $0x9;
	_ =	strace $0x8000004B  }
0x2b: {  	_ =	swait.ge [sflag:s29], $0x1  }
0x2c: {  	[sflag:s29] =	ssyncadd.s32 $0xFFFFFFFF  }
0x2d: {  	_ =	strace $0x9000004B  }
0x2e: {  	_ =	sfence  }
0x2f: {  	s30 =	sld [smem:$0x0];
	_ =	sdelay $0x2  }
0x30: {  	s31 =	sshll.u32 s1, $0xD;
	s1 =	sshrl.u32 s1, $0x2  }
0x31: {  	s3 =	sand.u32 $0x4000, s31;
	s1 =	sadd.s32 s1, s30  }
0x32: {  	s0 =	sor.u32 s3, s0;
	s1 =	sshll.u32 s1, $0x11  }
0x33: {  	s0 =	sor.u32 s1, s0  }
0x34: {  	s0 =	sadd.s32 $0x8F2B, s0  }
0x35: {  	[sflag:s0] =	ssyncadd.remote.s32 $0x1  }
0x36: {  	_ =	sfence.sel $0xFFFF  }
0x37: {  	[dreg:$0x0] =	wrdreg $0xFFFFFFFF;
	(pc) =	sbr.abs _section_cstart, $3  }
0x38: {  	[dreg:$0x1] =	wrdreg $0xFFFFFFFF  }
0x39: {  	_ =	task.clear_ibuf [dreg:s7], $0x2FFFF;
	_ =	strace $0x9FFFFFFF  }
0x3a: {  	(tm) =	ssettm $0x7FFFFFFF  }
0x3b: {  	_ =	shalt  }
tec
execute0_lowered:
.L_overlay_start_1:
0x0: {  	(tag) =	ssettag $0x1  }
0x1: {  	s0 =	srdreg.scid  }
0x2: {  	s1 =	sshll.u32 s0, $0x4  }
0x3: {  	s0 =	stileid.u32;
	s1 =	sand.u32 $0x10, s1  }
0x4: {  	s1 =	sor.u32 s0, s1  }
0x5: {  	s6 =	rddreg [dreg:$0x0];
	s4 =	simm.s32 $0x1;
	s2 =	sshll.u32 s1, $0x7  }
0x6: {  	s7 =	simm.s32 $0x2;
	s12 =	simm.s32 $0x0;
	s1 =	ssub.s32 $0x1000, s2  }
0x7: {  	s8 =	simm.s32 $0x8000;
	s13 =	simm.s32 $0x0;
	s3 =	sand.u32 $0xF80, s1  }
0x8: {  	s9 =	simm.s32 $0x0;
	s5 =	sshrl.u32 s1, $0xC;
	p0 =	sne.s32 s3, $0x0  }
.Ltmp0:
0x9: {  	s1 =	rddreg [dreg:$0x2];
	s4 =	simm.s32 @!p0 $0x0;
	(pc) =	sbr.rel .LBB1_1-.Ltmp0, $4  }
0xa: {  	s11 =	simm.s32 $0x0;
	s3 =	rddreg [dreg:$0x1];
	s5 =	sadd.s32 s4, s5  }
0xb: {  	_ =	strace $0x8000004A;
	s4 =	simm.s32 $0x1;
	s5 =	smul.u32 $0xC8, s5  }
0xc: {  	s6 =	sadd.s32 $0xA00, s6;
	s10 =	smov.u32 s2;
	[sflag:s4] =	ssyncpa.u1 $0x0  }
0xd: {  	p0 =	por $0x0, $0x0;
	[sflag:s7] =	ssyncpa.u1 $0x0;
	s7 =	sor.u32 $0x1, s5  }
.LBB1_4:
0xe: {  	s16 =	sshll.u32 s13, $0x3;
	s17 =	sand.u32 $0x78, s13  }
0xf: {  	s30 =	sand.u32 $0x7E00, s13;
	s12 =	sshll.u32 s12, $0xF;
	s16 =	sand.u32 $0xC00, s16  }
0x10: {  	[tilespmem:s15+$0x810 ss:$0x81] =	vst.msk $0xffff, v2;
	s31 =	sand.u32 $0x7, s13;
	s16 =	sor.u32 s17, s16;
	s17 =	sadd.s32 s3, s30  }
0x11: {  	[tilespmem:s15+$0x1020 ss:$0x81] =	vst.msk $0xffff, v0;
	s13 =	sshll.u32 s31, $0x12;
	s12 =	sadd.s32 s12, s17;
	s16 =	sshrl.u32 s16, $0x3  }
0x12: {  	[tilespmem:s15+$0x0 ss:$0x81] =	vst.msk $0xffff, v1;
	s13 =	sor.u32 $0x400, s13;
	s12 =	sadd.s32 s16, s12  }
0x13: {  	[hbm4b:s12+s13] =	stream.strided.scatter [tilespmem:s14], [sflag:$0x2], $0x2000, s8, s13, $0x20;
	[tilespmem:$0x8080] =	vst v63  }
.LBB1_5:
0x14: {  	s14 =	sadd.s32 $0x1, s9  }
0x15: {  	s12 =	sadd.s32 $0x1000, s10;
	s16 =	smov.u32 s10;
	p2 =	sgt.s32 s14, $0xC7  }
0x16: {  	s16 =	smov.u32 @p2 s12  }
0x17: {  	s14 =	simm.s32 @p2 $0x0;
	p2 =	sgt.s32 s16, $0xFFF  }
0x18: {  	s16 =	smov.u32 @p2 s2;
	p2 =	sne.s32 s11, s7  }
.Ltmp1:
0x19: {  	p1 =	slt.u32 s11, $0x2;
	(pc) =	sbr.rel @!p2 .LBB1_6-.Ltmp1, $4  }
0x1a: {  	s15 =	simm.s32 @!p1 $0x2  }
0x1b: {  	s13 =	smov.u32 s10;
	p0 =	por !p0, !p0;
	_ =	swait.ge @!p1 [sflag:s15], $0x2000  }
0x1c: {  	s12 =	smov.u32 s9;
	[sflag:s15] =	ssyncset.done @!p1 $0x0;
	s9 =	smov.u32 s14  }
0x1d: {  	s11 =	sadd.s32 $0x1, s11;
	[sflag:s15] =	ssyncadd.s32 @!p1 $0xFFFFE000;
	s10 =	smov.u32 s16  }
.LBB1_1:
0x1e: {  	p1 =	sge.u32 s11, s5  }
0x1f: {  	s14 =	sand.u32 @!p1 $0x1FFFFFF, s9  }
0x20: {  	s15 =	smulhi.u32 @!p1 $0x147AE15, s14;
	_ =	sdelay $0x1  }
0x21: {  	s15 =	smul.u32 @!p1 $0xC8, s15  }
0x22: {  	s16 =	sxor.u32 @!p1 $0xFFFFFFFF, s11;
	s17 =	smul.u32 @!p1 $0xC80, s10  }
0x23: {  	s31 =	sadd.s32 $0xFFFFFFFF, s11;
	s16 =	sshll.u32 @!p1 s16, $0xD;
	s14 =	ssub.s32 @!p1 s14, s15  }
0x24: {  	s15 =	sand.u32 @!p1 $0x2000, s16;
	s16 =	sadd.s32 @!p1 s6, s17;
	s14 =	sshll.u32 @!p1 s14, $0x4  }
0x25: {  	s17 =	simm.s32 @!p1 $0x6400;
	s14 =	sadd.s32 @!p1 s14, s16;
	s16 =	simm.s32 @!p1 $0x40  }
0x26: {  	[tilespmem:s15], [sflag:$0x1] =	stream.strided.gather @!p1 [hbm4b:s14+s16], $0x2000, s17, s16, $0x38;
	[tilespmem:$0x8080] =	vst v63  }
0x27: {  	p1 =	sge.u32 s31, s5  }
.Ltmp2:
0x28: {  	_ = 	snop;
	(pc) =	sbr.rel @p1 .LBB1_5-.Ltmp2, $1  }
0x29: {  	_ =	sdelay $0x3  }
0x2a: {  	s14 =	simm.s32 $0x1  }
0x2b: {  	_ =	swait.ge [sflag:s4], $0x2000;
	s14 =	simm.s32 @!p0 $0x0  }
0x2c: {  	[sflag:s4] =	ssyncset.done $0x0;
	s15 =	sshll.u32 s14, $0xD  }
0x2d: {  	[sflag:s4] =	ssyncadd.s32 $0xFFFFE000;
	s18 =	sor.u32 $0x20, s15  }
0x2e: {  	s14 =	smul.u32 $0x8100, s14;
	v3 =	vld [tilespmem:s18+$0x10]  }
0x2f: {  	s30 =	sand.u32 $0x1, s11;
	v2 =	vld [tilespmem:s18+$0xFFFFFFF0]  }
0x30: {  	s15 =	smul.u32 $0x8100, s30;
	s14 =	sshrl.u32 s14, $0x2;
	v0 =	vld [tilespmem:s18+$0x0]  }
0x31: {  	v1 =	vld [tilespmem:s18+$0xFFFFFFE0];
	s16 =	sor.u32 $0x4000, s14  }
0x32: {  	s31 =	sshrl.u32 s15, $0x2;
	s15 =	sadd.s32 $0x0, s16  }
0x33: {  	s17 =	simm.s32 $0x4;
	s18 =	sadd.s32 $0x40, s18;
	s14 =	sor.u32 $0x4000, s31;
	[tilespmem:s15+$0x1830 ss:$0x81] =	vst.msk $0xffff, v3  }
.LBB1_3:
0x34: {  	v3 =	vld [tilespmem:s18+$0x10];
	p1 =	sne.s32 s17, $0x1FC;
	[tilespmem:s15+$0x810 ss:$0x81] =	vst.msk $0xffff, v2;
	s19 =	smov.u32 s17;
	s17 =	sadd.s32 $0x4, s17  }
.Ltmp3:
0x35: {  	v2 =	vld [tilespmem:s18+$0xFFFFFFF0];
	[tilespmem:s15+$0x1020 ss:$0x81] =	vst.msk $0xffff, v0;
	(pc) =	sbr.rel @p1 .LBB1_3-.Ltmp3, $4  }
0x36: {  	v0 =	vld [tilespmem:s18+$0x0];
	[tilespmem:s15+$0x0 ss:$0x81] =	vst.msk $0xffff, v1  }
0x37: {  	s15 =	sshra.s32 s19, $0x2;
	v1 =	vld [tilespmem:s18+$0xFFFFFFE0]  }
0x38: {  	s15 =	sadd.s32 s15, s16  }
0x39: {  	s18 =	sadd.s32 $0x40, s18;
	[tilespmem:s15+$0x1830 ss:$0x81] =	vst.msk $0xffff, v3  }
.Ltmp4:
0x3a: {  	_ = 	snop;
	(pc) =	sbr.rel .LBB1_4-.Ltmp4, $1  }
0x3b: {  	_ =	sdelay $0x3  }
.LBB1_6:
0x3c: {  	_ =	sfence.sel $0x180000  }
0x3d: {  	s2 =	simm.s32 $0x1;
	[bflag:$0x0] =	sbarrier.arrive $0xFFFF  }
0x3e: {  	s31 =	simm.s32 $0x2;
	[sflag:s2] =	ssyncpa.u1 $0x1  }
0x3f: {  	[sflag:s31] =	ssyncpa.u1 $0x1  }
0x40: {  	p0 =	sne.s32 s0, $0x0;
	_ =	strace $0x9000004A  }
0x41: {  	s0 =	sadd.s32 @!p0 $0x100000, s1;
	[bflag:$0x2] =	sbarrier.arrive $0xFFFF  }
0x42: {  	[sflag:s0] =	ssyncadd.tile.s32 @!p0 $0x1;
	_ =	shalt  }
.Lfunc_end1:
_tile_overlayer_lowered:
.L_overlay_start_2:
0x43: {  	(tag) =	ssettag $0x2  }
0x44: {  	s0 =	rddreg [dreg:$0x0];
	s2 =	stileid.u32  }
0x45: {  	s1 =	rddreg [dreg:$0x1];
	p0 =	sne.s32 s2, $0x0  }
0x46: {  	s3 =	rddreg [dreg:$0x2];
	[bflag:$0x3] =	sbarrier.arrive $0xFFFF;
	s2 =	simm.s32 @!p0 $0x1C01  }
0x47: {  	[timem:s3], [sflag:s2] =	dma.local @!p0 [hbm:s0], s1  }
0x48: {  	s0 =	simm.s32 @!p0 $0x1  }
0x49: {  	_ =	swait.ge @!p0 [sflag:s0], s1  }
0x4a: {  	s1 =	ssub.s32 @!p0 $0x0, s1;
	[sflag:s0] =	ssyncset.done @!p0 $0x0  }
0x4b: {  	[sflag:s0] =	ssyncadd.s32 @!p0 s1  }
0x4c: {  	[bflag:$0x3] =	sbarrier.arrive $0xFFFF  }
0x4d: {  	_ =	shalt  }

</sc_bundles>
